<compile_context>
chip_gen: v7x
topology: tpu7x:2x2x1
jax: 0.10.2.dev20260603
libtpu: 0.0.44.dev20260713+nightly
codegen_flags: <defaults>
</compile_context>

<pallas_src>
import functools

import jax
import jax.numpy as jnp
import numpy as np
from jax import lax
from jax.experimental import pallas as pl
from jax.experimental.pallas import tpu as pltpu
from jax.experimental.pallas import tpu_sc as plsc

N = 1024
E = 4096
D = 128
H = 8
DH = D // H
HID = 256
SCALE = 1.0 / np.sqrt(DH)
NEG = -1e30

EB = 512
NB = 256
CB = 1024



def _sc_gather(table, idx):
    B = idx.shape[0]
    Dt = table.shape[1]
    info = plsc.get_sparse_core_info()
    nc = info.num_cores
    nw = nc * info.num_subcores
    b_per_w = B // nw
    chunk = min(b_per_w, 128)
    n_chunks = b_per_w // chunk
    mesh = plsc.VectorSubcoreMesh(core_axis_name="c", subcore_axis_name="s")

    @functools.partial(
        pl.kernel, mesh=mesh,
        out_type=jax.ShapeDtypeStruct((B, Dt), jnp.float32),
        scratch_types=[
            pltpu.VMEM((n_chunks, chunk), jnp.int32),
            pltpu.VMEM((b_per_w, Dt), jnp.float32),
            pltpu.SemaphoreType.DMA,
        ],
    )
    def k(table_hbm, idx_hbm, out_hbm, idx_v, rows_v, sem):
        wid = lax.axis_index("s") * nc + lax.axis_index("c")
        base = wid * b_per_w
        for j in range(n_chunks):
            pltpu.sync_copy(idx_hbm.at[pl.ds(base + j * chunk, chunk)],
                            idx_v.at[j])
            pltpu.async_copy(table_hbm.at[idx_v.at[j]],
                             rows_v.at[pl.ds(j * chunk, chunk)], sem).wait()
        pltpu.sync_copy(rows_v, out_hbm.at[pl.ds(base, b_per_w)])

    return k(table, idx)



def _ln(x, g, b):
    m = jnp.mean(x, axis=-1, keepdims=True)
    v = jnp.mean((x - m) ** 2, axis=-1, keepdims=True)
    return (x - m) / jnp.sqrt(v + 1e-5) * g + b


def _dot(a, b):
    return jnp.dot(a, b, preferred_element_type=jnp.float32)


def _rep_heads(x, rows):
    return jnp.concatenate(
        [jnp.broadcast_to(x[:, h:h + 1], (rows, DH)) for h in range(H)], axis=1)



def _ebase_body(et_ref, lne_g, lne_b, weqkv, beqkv, out_ref):
    xe = _ln(et_ref[...], lne_g[...], lne_b[...])
    out_ref[...] = _dot(xe, weqkv[...]) + beqkv[...]



def _nprep_body(eqkv_ref, g0_ref, g1_ref, lnn_g, lnn_b,
                wnq, bnq, wnkv, bnkv, s_ref, ve_ref):
    eqkv = eqkv_ref[...]
    x0 = _ln(g0_ref[...], lnn_g[...], lnn_b[...])
    x1 = _ln(g1_ref[...], lnn_g[...], lnn_b[...])
    q = eqkv[:, :D] + _dot(x0, wnq[...]) + bnq[...]
    kv = eqkv[:, D:] + _dot(x1, wnkv[...]) + bnkv[...]
    ve_ref[...] = kv[:, D:]
    qk = q * kv[:, :D]
    cols = [jnp.sum(qk[:, h * DH:(h + 1) * DH], axis=1, keepdims=True)
            for h in range(H)]
    s_ref[...] = jnp.concatenate(cols, axis=1) * SCALE



def _nagg_body(s_ref, ve_ref, ei0_ref, nt_ref, wout, bout, lnf_g, lnf_b,
               fc1, bfc1, fc2, bfc2, out_ref):
    i = pl.program_id(0)
    s = s_ref[...]
    m = jnp.max(s, axis=0, keepdims=True)
    e = jnp.exp(s - m)
    ev = (_rep_heads(e, E) * ve_ref[...]).astype(jnp.bfloat16)
    rows = lax.broadcasted_iota(jnp.int32, (NB, E), 0) + (i * NB)
    oh = jnp.where(rows == ei0_ref[...], 1.0, 0.0).astype(jnp.bfloat16)
    den = _dot(oh, e.astype(jnp.bfloat16))
    acc = _dot(oh, ev)
    upd = acc / (_rep_heads(den, NB) + 1e-16)
    nt1 = _dot(upd, wout[...]) + bout[...] + nt_ref[...]
    x = _ln(nt1, lnf_g[...], lnf_b[...])
    h1 = jnp.maximum(_dot(x, fc1[...]) + bfc1[...], 0.0)
    out_ref[...] = _dot(h1, fc2[...]) + bfc2[...] + nt1



def _eqkv_body(ebase_ref, g2_ref, g3_ref, lnn_g, lnn_b,
               wnqkv, bnqkv, out_ref):
    x2 = _ln(g2_ref[...], lnn_g[...], lnn_b[...])
    x3 = _ln(g3_ref[...], lnn_g[...], lnn_b[...])
    out_ref[...] = ebase_ref[...] + _dot(x2 + x3, wnqkv[...]) \
        + 2.0 * bnqkv[...]



def _eattn_body(qkv_blk, kv_chunk, ei0r, ei1r, ei0c, ei1c, et_ref,
                wout, bout, lnf_g, lnf_b, fc1, bfc1, fc2, bfc2, out_ref,
                den_s, acc_s):
    c = pl.program_id(1)
    nc = pl.num_programs(1)

    @pl.when(c == 0)
    def _init():
        den_s[...] = jnp.zeros((EB, H), jnp.float32)
        acc_s[...] = jnp.zeros((EB, D), jnp.float32)

    qall = qkv_blk[...][:, :D]
    kc = kv_chunk[...][:, D:2 * D]
    vc = kv_chunk[...][:, 2 * D:]
    a0 = ei0c[...]
    a1 = ei1c[...]
    b0 = ei0r[...]
    b1 = ei1r[...]
    nb = (a0 == b0) | (a0 == b1) | (a1 == b0) | (a1 == b1)
    neg = jnp.where(nb, 0.0, NEG)
    lane = lax.broadcasted_iota(jnp.int32, (1, D), 1) // DH
    accv = jnp.zeros((EB, D), jnp.float32)
    dens = []
    for h in range(H):
        mh = lane == h
        kh = jnp.where(mh, kc, 0.0)
        vh = jnp.where(mh, vc, 0.0).astype(jnp.bfloat16)
        sh = lax.dot_general(qall, kh, (((1,), (1,)), ((), ())),
                             preferred_element_type=jnp.float32)
        ph = jnp.exp(sh + neg)
        dens.append(jnp.sum(ph, axis=1, keepdims=True))
        accv = accv + _dot(ph.astype(jnp.bfloat16), vh)
    den_s[...] = den_s[...] + jnp.concatenate(dens, axis=1)
    acc_s[...] = acc_s[...] + accv

    @pl.when(c == nc - 1)
    def _epilogue():
        upd = acc_s[...] / (_rep_heads(den_s[...], EB) + 1e-16)
        et1 = _dot(upd, wout[...]) + bout[...] + et_ref[...]
        x = _ln(et1, lnf_g[...], lnf_b[...])
        h1 = jnp.maximum(_dot(x, fc1[...]) + bfc1[...], 0.0)
        out_ref[...] = _dot(h1, fc2[...]) + bfc2[...] + et1



def _row(v):
    return v.reshape(1, -1)


def _full(shape):
    return pl.BlockSpec(shape, lambda i: (0, 0))


def _eblk(cols=D):
    return pl.BlockSpec((EB, cols), lambda i: (i, 0))


def kernel(node_tensors, edge_tensors, edge_index, params):
    p = params
    nt = node_tensors
    et = edge_tensors
    ei0 = edge_index[0]
    ei1 = edge_index[1]
    idx = jnp.concatenate([ei0, ei1])
    ei0i = _row(ei0)
    ei0r = _row(ei0.astype(jnp.float32))
    ei1r = _row(ei1.astype(jnp.float32))
    ei0c = ei0.astype(jnp.float32).reshape(E, 1)
    ei1c = ei1.astype(jnp.float32).reshape(E, 1)

    nm = p["node_mha"]
    em = p["edge_mha"]
    weqkv_n = jnp.concatenate(
        [nm["Weq"]["W"].T, nm["Wek"]["W"].T, nm["Wev"]["W"].T], axis=1)
    beqkv_n = _row(jnp.concatenate(
        [nm["Weq"]["b"], nm["Wek"]["b"], nm["Wev"]["b"]]))
    wnq_n = nm["Wnq"]["W"].T
    bnq_n = _row(nm["Wnq"]["b"])
    wnkv_n = jnp.concatenate([nm["Wnk"]["W"].T, nm["Wnv"]["W"].T], axis=1)
    bnkv_n = _row(jnp.concatenate([nm["Wnk"]["b"], nm["Wnv"]["b"]]))
    wout_n = nm["out"]["W"].T
    bout_n = _row(nm["out"]["b"])
    weqkv_e = jnp.concatenate(
        [em["Weq"]["W"].T * SCALE, em["Wek"]["W"].T, em["Wev"]["W"].T], axis=1)
    beqkv_e = _row(jnp.concatenate(
        [em["Weq"]["b"] * SCALE, em["Wek"]["b"], em["Wev"]["b"]]))
    wnqkv_e = jnp.concatenate(
        [em["Wnq"]["W"].T * SCALE, em["Wnk"]["W"].T, em["Wnv"]["W"].T], axis=1)
    bnqkv_e = _row(jnp.concatenate(
        [em["Wnq"]["b"] * SCALE, em["Wnk"]["b"], em["Wnv"]["b"]]))
    wout_e = em["out"]["W"].T
    bout_e = _row(em["out"]["b"])
    nfc1 = p["node_ffn_fc1"]["W"].T
    nbfc1 = _row(p["node_ffn_fc1"]["b"])
    nfc2 = p["node_ffn_fc2"]["W"].T
    nbfc2 = _row(p["node_ffn_fc2"]["b"])
    efc1 = p["edge_ffn_fc1"]["W"].T
    ebfc1 = _row(p["edge_ffn_fc1"]["b"])
    efc2 = p["edge_ffn_fc2"]["W"].T
    ebfc2 = _row(p["edge_ffn_fc2"]["b"])
    ln = {k: (_row(v["g"]), _row(v["b"]))
          for k, v in p.items() if k.endswith("ln") or "_ln" in k}

    g01 = _sc_gather(nt, idx)
    g0 = g01[:E]
    g1 = g01[E:]

    wspec = lambda a: _full(a.shape)
    lnn1 = ln["node_attn_ln1"]
    lne1 = ln["edge_attn_ln1"]
    eqkv_n = pl.pallas_call(
        _ebase_body,
        grid=(E // EB,),
        in_specs=[_eblk(), wspec(lne1[0]), wspec(lne1[1]),
                  wspec(weqkv_n), wspec(beqkv_n)],
        out_specs=_eblk(3 * D),
        out_shape=jax.ShapeDtypeStruct((E, 3 * D), jnp.float32),
    )(et, lne1[0], lne1[1], weqkv_n, beqkv_n)
    s, ve = pl.pallas_call(
        _nprep_body,
        grid=(E // EB,),
        in_specs=[_eblk(3 * D), _eblk(), _eblk(),
                  wspec(lnn1[0]), wspec(lnn1[1]),
                  wspec(wnq_n), wspec(bnq_n),
                  wspec(wnkv_n), wspec(bnkv_n)],
        out_specs=[_eblk(H), _eblk(D)],
        out_shape=[jax.ShapeDtypeStruct((E, H), jnp.float32),
                   jax.ShapeDtypeStruct((E, D), jnp.float32)],
    )(eqkv_n, g0, g1, lnn1[0], lnn1[1],
      wnq_n, bnq_n, wnkv_n, bnkv_n)

    lnf = ln["node_ffn_ln"]
    nt2 = pl.pallas_call(
        _nagg_body,
        grid=(N // NB,),
        in_specs=[_full((E, H)), _full((E, D)), _full((1, E)),
                  pl.BlockSpec((NB, D), lambda i: (i, 0)),
                  wspec(wout_n), wspec(bout_n), wspec(lnf[0]), wspec(lnf[1]),
                  wspec(nfc1), wspec(nbfc1), wspec(nfc2), wspec(nbfc2)],
        out_specs=pl.BlockSpec((NB, D), lambda i: (i, 0)),
        out_shape=jax.ShapeDtypeStruct((N, D), jnp.float32),
    )(s, ve, ei0i, nt, wout_n, bout_n, lnf[0], lnf[1],
      nfc1, nbfc1, nfc2, nbfc2)

    g23 = _sc_gather(nt2, idx)
    g2 = g23[:E]
    g3 = g23[E:]

    lnn2 = ln["node_attn_ln2"]
    lne2 = ln["edge_attn_ln2"]
    ebase = pl.pallas_call(
        _ebase_body,
        grid=(E // EB,),
        in_specs=[_eblk(), wspec(lne2[0]), wspec(lne2[1]),
                  wspec(weqkv_e), wspec(beqkv_e)],
        out_specs=_eblk(3 * D),
        out_shape=jax.ShapeDtypeStruct((E, 3 * D), jnp.float32),
    )(et, lne2[0], lne2[1], weqkv_e, beqkv_e)
    qkv = pl.pallas_call(
        _eqkv_body,
        grid=(E // EB,),
        in_specs=[_eblk(3 * D), _eblk(), _eblk(),
                  wspec(lnn2[0]), wspec(lnn2[1]),
                  wspec(wnqkv_e), wspec(bnqkv_e)],
        out_specs=_eblk(3 * D),
        out_shape=jax.ShapeDtypeStruct((E, 3 * D), jnp.float32),
    )(ebase, g2, g3, lnn2[0], lnn2[1], wnqkv_e, bnqkv_e)

    lnfe = ln["edge_ffn_ln"]
    rowspec = lambda cols: pl.BlockSpec((EB, cols), lambda i, c: (i, 0))
    w2 = lambda a: pl.BlockSpec(a.shape, lambda i, c: (0, 0))
    et2 = pl.pallas_call(
        _eattn_body,
        grid=(E // EB, E // CB),
        in_specs=[rowspec(3 * D),
                  pl.BlockSpec((CB, 3 * D), lambda i, c: (c, 0)),
                  pl.BlockSpec((1, CB), lambda i, c: (0, c)),
                  pl.BlockSpec((1, CB), lambda i, c: (0, c)),
                  rowspec(1), rowspec(1), rowspec(D),
                  w2(wout_e), w2(bout_e), w2(lnfe[0]), w2(lnfe[1]),
                  w2(efc1), w2(ebfc1), w2(efc2), w2(ebfc2)],
        out_specs=rowspec(D),
        out_shape=jax.ShapeDtypeStruct((E, D), jnp.float32),
        scratch_shapes=[pltpu.VMEM((EB, H), jnp.float32),
                        pltpu.VMEM((EB, D), jnp.float32)],
    )(qkv, qkv, ei0r, ei1r, ei0c, ei1c, et,
      wout_e, bout_e, lnfe[0], lnfe[1], efc1, ebfc1, efc2, ebfc2)

    return nt2, et2

# --- scband reference (transcript-rebuilt; emitter-appended) ---
"""Pipeline reference for scband-lpgnnlayer-51539608255 (READ-ONLY COPY).

The authoritative reference and input builder live on the scoring server;
editing this copy changes nothing except your own understanding.
"""

import jax, jax.numpy as jnp
import numpy as np

N_NODES = 1024
N_EDGES = 4096
D = 128
H = 8
HID = 256
SCALE = 1.0 / np.sqrt(D // H)


def _lin_init(key, din, dout):
    return {"W": jax.random.normal(key, (dout, din), dtype=jnp.float32) * (1.0 / np.sqrt(din)),
            "b": jnp.zeros((dout,), dtype=jnp.float32)}


def _ln_init():
    return {"g": jnp.ones((D,), dtype=jnp.float32), "b": jnp.zeros((D,), dtype=jnp.float32)}


def setup_inputs(seed: int = 0) -> dict:
    key = jax.random.key(seed)
    ks = iter(jax.random.split(key, 40))
    node_tensors = jax.random.normal(next(ks), (N_NODES, D), dtype=jnp.float32)
    edge_tensors = jax.random.normal(next(ks), (N_EDGES, D), dtype=jnp.float32)
    edge_index = jax.random.randint(next(ks), (2, N_EDGES), 0, N_NODES, dtype=jnp.int32)

    def mha_params():
        return {n: _lin_init(next(ks), D, D) for n in ["Wnq", "Wnk", "Wnv", "Weq", "Wek", "Wev", "out"]}

    params = {
        "node_attn_ln1": _ln_init(), "edge_attn_ln1": _ln_init(),
        "node_attn_ln2": _ln_init(), "edge_attn_ln2": _ln_init(),
        "node_ffn_ln": _ln_init(), "edge_ffn_ln": _ln_init(),
        "node_mha": mha_params(), "edge_mha": mha_params(),
        "node_ffn_fc1": _lin_init(next(ks), D, HID), "node_ffn_fc2": _lin_init(next(ks), HID, D),
        "edge_ffn_fc1": _lin_init(next(ks), D, HID), "edge_ffn_fc2": _lin_init(next(ks), HID, D),
    }
    return {"node_tensors": node_tensors, "edge_tensors": edge_tensors,
            "edge_index": edge_index, "params": params}


def _linear(p, x):
    return x @ p["W"].T + p["b"]


def _layernorm(p, x):
    m = jnp.mean(x, axis=-1, keepdims=True)
    v = jnp.mean((x - m) ** 2, axis=-1, keepdims=True)
    return (x - m) / jnp.sqrt(v + 1e-5) * p["g"] + p["b"]


def _sep(x):
    return x.reshape(x.shape[0], H, D // H).transpose(1, 0, 2)


def _cat(x):
    return x.transpose(1, 0, 2).reshape(x.shape[1], D)


def _seg_softmax(scores, idx, num):
    sT = scores.T
    m = jax.ops.segment_max(sT, idx, num_segments=num)
    m = jnp.where(jnp.isfinite(m), m, 0.0)
    e = jnp.exp(sT - m[idx])
    den = jax.ops.segment_sum(e, idx, num_segments=num)
    return (e / (den[idx] + 1e-16)).T


def _seg_sum(vals, idx, num):
    return jax.ops.segment_sum(vals.transpose(1, 0, 2), idx, num_segments=num).transpose(1, 0, 2)


def _node_mha(p, nt, et, ei):
    eQ = _sep(_linear(p["Weq"], et)); eK = _sep(_linear(p["Wek"], et)); eV = _sep(_linear(p["Wev"], et))
    nQ = _sep(_linear(p["Wnq"], nt)); nK = _sep(_linear(p["Wnk"], nt)); nV = _sep(_linear(p["Wnv"], nt))
    Q = eQ + nQ[:, ei[0], :]
    K = eK + nK[:, ei[1], :]
    s = jnp.sum(Q * K, axis=-1) * SCALE
    w = _seg_softmax(s, ei[0], N_NODES)
    V = eV + nV[:, ei[1], :]
    upd = _seg_sum(w[:, :, None] * V, ei[0], N_NODES)
    return _linear(p["out"], _cat(upd))


def _edge_mha(p, nt, et, ei, nmask):
    eQ = _sep(_linear(p["Weq"], et)); eK = _sep(_linear(p["Wek"], et)); eV = _sep(_linear(p["Wev"], et))
    nQ = _sep(_linear(p["Wnq"], nt)); nK = _sep(_linear(p["Wnk"], nt)); nV = _sep(_linear(p["Wnv"], nt))
    Q = eQ + nQ[:, ei[0], :] + nQ[:, ei[1], :]
    K = eK + nK[:, ei[0], :] + nK[:, ei[1], :]
    V = eV + nV[:, ei[0], :] + nV[:, ei[1], :]
    s = jnp.einsum("had,hbd->hab", Q, K) * SCALE
    s = jnp.where(nmask[None, :, :], s, -jnp.inf)
    m = jnp.max(s, axis=-1)
    m = jnp.where(jnp.isfinite(m), m, 0.0)
    e = jnp.where(nmask[None, :, :], jnp.exp(s - m[:, :, None]), 0.0)
    den = jnp.sum(e, axis=-1)
    w = e / (den[:, :, None] + 1e-16)
    upd = jnp.einsum("hab,hbd->had", w, V)
    return _linear(p["out"], _cat(upd))


def _compute_neighbor_pairs(ei):
    inc = jnp.zeros((N_EDGES, N_NODES), dtype=jnp.float32)
    inc = inc.at[jnp.arange(N_EDGES), ei[0]].set(1.0).at[jnp.arange(N_EDGES), ei[1]].set(1.0)
    en = inc @ inc.T
    return en > 0


def _layer(params, nt, et, ei, nei):
    nt1 = _node_mha(params["node_mha"], _layernorm(params["node_attn_ln1"], nt),
                    _layernorm(params["edge_attn_ln1"], et), ei) + nt
    nt2 = _linear(params["node_ffn_fc2"], jax.nn.relu(_linear(params["node_ffn_fc1"],
                  _layernorm(params["node_ffn_ln"], nt1)))) + nt1
    et1 = _edge_mha(params["edge_mha"], _layernorm(params["node_attn_ln2"], nt2),
                    _layernorm(params["edge_attn_ln2"], et), ei, nei) + et
    et2 = _linear(params["edge_ffn_fc2"], jax.nn.relu(_linear(params["edge_ffn_fc1"],
                  _layernorm(params["edge_ffn_ln"], et1)))) + et1
    return (nt2, et2)


def reference(node_tensors, edge_tensors, edge_index, params):
    nei = _compute_neighbor_pairs(edge_index)
    return _layer(params, node_tensors, edge_tensors, edge_index, nei)

if __name__ == "__main__":
    import jax
    _d = setup_inputs()
    print(jax.jit(kernel)(*tuple(_d.values())))

</pallas_src>

<mosaic_0001>
#map = affine_map<(d0, d1) -> (0, 0)>
#map1 = affine_map<(d0, d1) -> (0)>
module attributes {stable_mosaic.version = 14 : i64} {
  func.func @k(%arg0: i32, %arg1: i32, %arg2: memref<1024x128xf32, #tpu.memory_space<hbm>>, %arg3: memref<8192xi32, #tpu.memory_space<hbm>>, %arg4: memref<8192x128xf32, #tpu.memory_space<hbm>>, %arg5: memref<2x128xi32, #tpu.memory_space<vmem>>, %arg6: memref<256x128xf32, #tpu.memory_space<vmem>>, %arg7: memref<!tpu.dma_semaphore, #tpu.memory_space<semaphore_mem>>) attributes {dimension_semantics = [#tpu.dimension_semantics<core_parallel>, #tpu.dimension_semantics<subcore_parallel>], iteration_bounds = array<i64: 2, 16>, scalar_prefetch = 0 : i64, scratch_operands = 3 : i64, tpu.core_type = #tpu.core_type<sc_vector_subcore>, window_params = [{transform_indices = #map}, {transform_indices = #map1}, {transform_indices = #map}]} {
    %mul3A = arith.constant 2 : i32
    %mul3A_0 = arith.muli %arg1, %mul3A : i32
    %add3A = arith.addi %mul3A_0, %arg0 : i32
    %mul3A_1 = arith.constant 256 : i32
    %mul3A_2 = arith.muli %add3A, %mul3A_1 : i32
    %add3A_3 = arith.constant 0 : i32
    %add3A_4 = arith.addi %mul3A_2, %add3A_3 : i32
    %run_scoped3A = arith.constant 0 : i32
    "tpu.region"() ({
      %run_scoped3A_46 = tpu.sem_alloc : memref<!tpu.dma_semaphore, #tpu.memory_space<semaphore_mem>>
      %dma_start3A_47 = arith.constant 0 : i32
      %dma_start3A_48 = tpu.memref_slice %arg5[%run_scoped3A, %dma_start3A_47] : memref<2x128xi32, #tpu.memory_space<vmem>> -> memref<1x128xi32, #tpu.memory_space<vmem>>
      %dma_start3A_49 = tpu.memref_squeeze %dma_start3A_48 : memref<1x128xi32, #tpu.memory_space<vmem>> -> memref<128xi32, #tpu.memory_space<vmem>>
      %dma_start3A_50 = tpu.memref_slice %arg3[%add3A_4] : memref<8192xi32, #tpu.memory_space<hbm>> -> memref<128xi32, #tpu.memory_space<hbm>>
      %dma_start3A_51 = arith.constant 0 : i32
      %dma_start3A_52 = tpu.memref_slice %arg5[%run_scoped3A, %dma_start3A_51] : memref<2x128xi32, #tpu.memory_space<vmem>> -> memref<1x128xi32, #tpu.memory_space<vmem>>
      %dma_start3A_53 = tpu.memref_squeeze %dma_start3A_52 : memref<1x128xi32, #tpu.memory_space<vmem>> -> memref<128xi32, #tpu.memory_space<vmem>>
      %dma_start3A_54 = tpu.memref_slice %arg3[%add3A_4] : memref<8192xi32, #tpu.memory_space<hbm>> -> memref<128xi32, #tpu.memory_space<hbm>>
      tpu.enqueue_dma source(%dma_start3A_54 : memref<128xi32, #tpu.memory_space<hbm>>) target(%dma_start3A_53 : memref<128xi32, #tpu.memory_space<vmem>>) target_semaphore(%run_scoped3A_46 : memref<!tpu.dma_semaphore, #tpu.memory_space<semaphore_mem>>)
      %dma_wait3A_55 = arith.constant 0 : i32
      %dma_wait3A_56 = tpu.memref_slice %arg5[%run_scoped3A, %dma_wait3A_55] : memref<2x128xi32, #tpu.memory_space<vmem>> -> memref<1x128xi32, #tpu.memory_space<vmem>>
      %dma_wait3A_57 = tpu.memref_squeeze %dma_wait3A_56 : memref<1x128xi32, #tpu.memory_space<vmem>> -> memref<128xi32, #tpu.memory_space<vmem>>
      %dma_wait3A_58 = tpu.memref_slice %arg3[%add3A_4] : memref<8192xi32, #tpu.memory_space<hbm>> -> memref<128xi32, #tpu.memory_space<hbm>>
      %dma_wait3A_59 = arith.constant 0 : i32
      %dma_wait3A_60 = tpu.memref_slice %arg5[%run_scoped3A, %dma_wait3A_59] : memref<2x128xi32, #tpu.memory_space<vmem>> -> memref<1x128xi32, #tpu.memory_space<vmem>>
      %dma_wait3A_61 = tpu.memref_squeeze %dma_wait3A_60 : memref<1x128xi32, #tpu.memory_space<vmem>> -> memref<128xi32, #tpu.memory_space<vmem>>
      %dma_wait3A_62 = tpu.memref_slice %arg3[%add3A_4] : memref<8192xi32, #tpu.memory_space<hbm>> -> memref<128xi32, #tpu.memory_space<hbm>>
      tpu.wait_dma2 semaphore(%run_scoped3A_46 : memref<!tpu.dma_semaphore, #tpu.memory_space<semaphore_mem>>) src(%dma_wait3A_62 : memref<128xi32, #tpu.memory_space<hbm>>) dst(%dma_wait3A_61 : memref<128xi32, #tpu.memory_space<vmem>>)
      tpu.yield
    }) : () -> ()
    %dma_start3A = arith.constant 0 : i32
    %dma_start3A_5 = arith.constant 0 : i32
    %dma_start3A_6 = arith.constant 0 : i32
    %dma_start3A_7 = tpu.memref_slice %arg6[%dma_start3A_5, %dma_start3A_6] : memref<256x128xf32, #tpu.memory_space<vmem>> -> memref<128x128xf32, #tpu.memory_space<vmem>>
    %dma_start3A_8 = arith.constant 0 : i32
    %dma_start3A_9 = tpu.memref_slice %arg5[%dma_start3A, %dma_start3A_8] : memref<2x128xi32, #tpu.memory_space<vmem>> -> memref<1x128xi32, #tpu.memory_space<vmem>>
    %dma_start3A_10 = tpu.memref_squeeze %dma_start3A_9 : memref<1x128xi32, #tpu.memory_space<vmem>> -> memref<128xi32, #tpu.memory_space<vmem>>
    %dma_start3A_11 = arith.constant 0 : i32
    %dma_start3A_12 = arith.constant 0 : i32
    %dma_start3A_13 = tpu.memref_slice %arg2[%dma_start3A_11, %dma_start3A_12] : memref<1024x128xf32, #tpu.memory_space<hbm>> -> memref<1024x128xf32, #tpu.memory_space<hbm>>
    tpu.enqueue_indirect_dma source(%dma_start3A_13 : memref<1024x128xf32, #tpu.memory_space<hbm>>) target(%dma_start3A_7 : memref<128x128xf32, #tpu.memory_space<vmem>>) offsets(%dma_start3A_10 : memref<128xi32, #tpu.memory_space<vmem>>) semaphore(%arg7 : memref<!tpu.dma_semaphore, #tpu.memory_space<semaphore_mem>>)
    %dma_wait3A = arith.constant 0 : i32
    %dma_wait3A_14 = arith.constant 0 : i32
    %dma_wait3A_15 = arith.constant 0 : i32
    %dma_wait3A_16 = tpu.memref_slice %arg6[%dma_wait3A_14, %dma_wait3A_15] : memref<256x128xf32, #tpu.memory_space<vmem>> -> memref<128x128xf32, #tpu.memory_space<vmem>>
    %dma_wait3A_17 = arith.constant 0 : i32
    %dma_wait3A_18 = tpu.memref_slice %arg5[%dma_wait3A, %dma_wait3A_17] : memref<2x128xi32, #tpu.memory_space<vmem>> -> memref<1x128xi32, #tpu.memory_space<vmem>>
    %dma_wait3A_19 = tpu.memref_squeeze %dma_wait3A_18 : memref<1x128xi32, #tpu.memory_space<vmem>> -> memref<128xi32, #tpu.memory_space<vmem>>
    %dma_wait3A_20 = arith.constant 0 : i32
    %dma_wait3A_21 = arith.constant 0 : i32
    %dma_wait3A_22 = tpu.memref_slice %arg2[%dma_wait3A_20, %dma_wait3A_21] : memref<1024x128xf32, #tpu.memory_space<hbm>> -> memref<1024x128xf32, #tpu.memory_space<hbm>>
    tpu.wait_indirect_dma semaphore(%arg7 : memref<!tpu.dma_semaphore, #tpu.memory_space<semaphore_mem>>) src(%dma_wait3A_22 : memref<1024x128xf32, #tpu.memory_space<hbm>>) dst(%dma_wait3A_16 : memref<128x128xf32, #tpu.memory_space<vmem>>)
    %add3A_23 = arith.constant 128 : i32
    %add3A_24 = arith.addi %mul3A_2, %add3A_23 : i32
    %run_scoped3A_25 = arith.constant 1 : i32
    "tpu.region"() ({
      %run_scoped3A_46 = tpu.sem_alloc : memref<!tpu.dma_semaphore, #tpu.memory_space<semaphore_mem>>
      %dma_start3A_47 = arith.constant 0 : i32
      %dma_start3A_48 = tpu.memref_slice %arg5[%run_scoped3A_25, %dma_start3A_47] : memref<2x128xi32, #tpu.memory_space<vmem>> -> memref<1x128xi32, #tpu.memory_space<vmem>>
      %dma_start3A_49 = tpu.memref_squeeze %dma_start3A_48 : memref<1x128xi32, #tpu.memory_space<vmem>> -> memref<128xi32, #tpu.memory_space<vmem>>
      %dma_start3A_50 = tpu.memref_slice %arg3[%add3A_24] : memref<8192xi32, #tpu.memory_space<hbm>> -> memref<128xi32, #tpu.memory_space<hbm>>
      %dma_start3A_51 = arith.constant 0 : i32
      %dma_start3A_52 = tpu.memref_slice %arg5[%run_scoped3A_25, %dma_start3A_51] : memref<2x128xi32, #tpu.memory_space<vmem>> -> memref<1x128xi32, #tpu.memory_space<vmem>>
      %dma_start3A_53 = tpu.memref_squeeze %dma_start3A_52 : memref<1x128xi32, #tpu.memory_space<vmem>> -> memref<128xi32, #tpu.memory_space<vmem>>
      %dma_start3A_54 = tpu.memref_slice %arg3[%add3A_24] : memref<8192xi32, #tpu.memory_space<hbm>> -> memref<128xi32, #tpu.memory_space<hbm>>
      tpu.enqueue_dma source(%dma_start3A_54 : memref<128xi32, #tpu.memory_space<hbm>>) target(%dma_start3A_53 : memref<128xi32, #tpu.memory_space<vmem>>) target_semaphore(%run_scoped3A_46 : memref<!tpu.dma_semaphore, #tpu.memory_space<semaphore_mem>>)
      %dma_wait3A_55 = arith.constant 0 : i32
      %dma_wait3A_56 = tpu.memref_slice %arg5[%run_scoped3A_25, %dma_wait3A_55] : memref<2x128xi32, #tpu.memory_space<vmem>> -> memref<1x128xi32, #tpu.memory_space<vmem>>
      %dma_wait3A_57 = tpu.memref_squeeze %dma_wait3A_56 : memref<1x128xi32, #tpu.memory_space<vmem>> -> memref<128xi32, #tpu.memory_space<vmem>>
      %dma_wait3A_58 = tpu.memref_slice %arg3[%add3A_24] : memref<8192xi32, #tpu.memory_space<hbm>> -> memref<128xi32, #tpu.memory_space<hbm>>
      %dma_wait3A_59 = arith.constant 0 : i32
      %dma_wait3A_60 = tpu.memref_slice %arg5[%run_scoped3A_25, %dma_wait3A_59] : memref<2x128xi32, #tpu.memory_space<vmem>> -> memref<1x128xi32, #tpu.memory_space<vmem>>
      %dma_wait3A_61 = tpu.memref_squeeze %dma_wait3A_60 : memref<1x128xi32, #tpu.memory_space<vmem>> -> memref<128xi32, #tpu.memory_space<vmem>>
      %dma_wait3A_62 = tpu.memref_slice %arg3[%add3A_24] : memref<8192xi32, #tpu.memory_space<hbm>> -> memref<128xi32, #tpu.memory_space<hbm>>
      tpu.wait_dma2 semaphore(%run_scoped3A_46 : memref<!tpu.dma_semaphore, #tpu.memory_space<semaphore_mem>>) src(%dma_wait3A_62 : memref<128xi32, #tpu.memory_space<hbm>>) dst(%dma_wait3A_61 : memref<128xi32, #tpu.memory_space<vmem>>)
      tpu.yield
    }) : () -> ()
    %dma_start3A_26 = arith.constant 1 : i32
    %dma_start3A_27 = arith.constant 128 : i32
    %dma_start3A_28 = arith.constant 0 : i32
    %dma_start3A_29 = tpu.memref_slice %arg6[%dma_start3A_27, %dma_start3A_28] : memref<256x128xf32, #tpu.memory_space<vmem>> -> memref<128x128xf32, #tpu.memory_space<vmem>>
    %dma_start3A_30 = arith.constant 0 : i32
    %dma_start3A_31 = tpu.memref_slice %arg5[%dma_start3A_26, %dma_start3A_30] : memref<2x128xi32, #tpu.memory_space<vmem>> -> memref<1x128xi32, #tpu.memory_space<vmem>>
    %dma_start3A_32 = tpu.memref_squeeze %dma_start3A_31 : memref<1x128xi32, #tpu.memory_space<vmem>> -> memref<128xi32, #tpu.memory_space<vmem>>
    %dma_start3A_33 = arith.constant 0 : i32
    %dma_start3A_34 = arith.constant 0 : i32
    %dma_start3A_35 = tpu.memref_slice %arg2[%dma_start3A_33, %dma_start3A_34] : memref<1024x128xf32, #tpu.memory_space<hbm>> -> memref<1024x128xf32, #tpu.memory_space<hbm>>
    tpu.enqueue_indirect_dma source(%dma_start3A_35 : memref<1024x128xf32, #tpu.memory_space<hbm>>) target(%dma_start3A_29 : memref<128x128xf32, #tpu.memory_space<vmem>>) offsets(%dma_start3A_32 : memref<128xi32, #tpu.memory_space<vmem>>) semaphore(%arg7 : memref<!tpu.dma_semaphore, #tpu.memory_space<semaphore_mem>>)
    %dma_wait3A_36 = arith.constant 1 : i32
    %dma_wait3A_37 = arith.constant 128 : i32
    %dma_wait3A_38 = arith.constant 0 : i32
    %dma_wait3A_39 = tpu.memref_slice %arg6[%dma_wait3A_37, %dma_wait3A_38] : memref<256x128xf32, #tpu.memory_space<vmem>> -> memref<128x128xf32, #tpu.memory_space<vmem>>
    %dma_wait3A_40 = arith.constant 0 : i32
    %dma_wait3A_41 = tpu.memref_slice %arg5[%dma_wait3A_36, %dma_wait3A_40] : memref<2x128xi32, #tpu.memory_space<vmem>> -> memref<1x128xi32, #tpu.memory_space<vmem>>
    %dma_wait3A_42 = tpu.memref_squeeze %dma_wait3A_41 : memref<1x128xi32, #tpu.memory_space<vmem>> -> memref<128xi32, #tpu.memory_space<vmem>>
    %dma_wait3A_43 = arith.constant 0 : i32
    %dma_wait3A_44 = arith.constant 0 : i32
    %dma_wait3A_45 = tpu.memref_slice %arg2[%dma_wait3A_43, %dma_wait3A_44] : memref<1024x128xf32, #tpu.memory_space<hbm>> -> memref<1024x128xf32, #tpu.memory_space<hbm>>
    tpu.wait_indirect_dma semaphore(%arg7 : memref<!tpu.dma_semaphore, #tpu.memory_space<semaphore_mem>>) src(%dma_wait3A_45 : memref<1024x128xf32, #tpu.memory_space<hbm>>) dst(%dma_wait3A_39 : memref<128x128xf32, #tpu.memory_space<vmem>>)
    "tpu.region"() ({
      %run_scoped3A_46 = tpu.sem_alloc : memref<!tpu.dma_semaphore, #tpu.memory_space<semaphore_mem>>
      %dma_start3A_47 = arith.constant 0 : i32
      %dma_start3A_48 = tpu.memref_slice %arg4[%mul3A_2, %dma_start3A_47] : memref<8192x128xf32, #tpu.memory_space<hbm>> -> memref<256x128xf32, #tpu.memory_space<hbm>>
      %dma_start3A_49 = arith.constant 0 : i32
      %dma_start3A_50 = tpu.memref_slice %arg4[%mul3A_2, %dma_start3A_49] : memref<8192x128xf32, #tpu.memory_space<hbm>> -> memref<256x128xf32, #tpu.memory_space<hbm>>
      tpu.enqueue_dma source(%arg6 : memref<256x128xf32, #tpu.memory_space<vmem>>) target(%dma_start3A_50 : memref<256x128xf32, #tpu.memory_space<hbm>>) target_semaphore(%run_scoped3A_46 : memref<!tpu.dma_semaphore, #tpu.memory_space<semaphore_mem>>)
      %dma_wait3A_51 = arith.constant 0 : i32
      %dma_wait3A_52 = tpu.memref_slice %arg4[%mul3A_2, %dma_wait3A_51] : memref<8192x128xf32, #tpu.memory_space<hbm>> -> memref<256x128xf32, #tpu.memory_space<hbm>>
      %dma_wait3A_53 = arith.constant 0 : i32
      %dma_wait3A_54 = tpu.memref_slice %arg4[%mul3A_2, %dma_wait3A_53] : memref<8192x128xf32, #tpu.memory_space<hbm>> -> memref<256x128xf32, #tpu.memory_space<hbm>>
      tpu.wait_dma2 semaphore(%run_scoped3A_46 : memref<!tpu.dma_semaphore, #tpu.memory_space<semaphore_mem>>) src(%arg6 : memref<256x128xf32, #tpu.memory_space<vmem>>) dst(%dma_wait3A_54 : memref<256x128xf32, #tpu.memory_space<hbm>>)
      tpu.yield
    }) : () -> ()
    return
  }
}

#map = affine_map<(d0, d1) -> (0, 0)>
#map1 = affine_map<(d0, d1) -> (0)>
module attributes {stable_mosaic.version = 14 : i64} {
  func.func @k(%arg0: i32, %arg1: i32, %arg2: memref<1024x128xf32, #tpu.memory_space<hbm>>, %arg3: memref<8192xi32, #tpu.memory_space<hbm>>, %arg4: memref<8192x128xf32, #tpu.memory_space<hbm>>, %arg5: memref<2x128xi32, #tpu.memory_space<vmem>>, %arg6: memref<256x128xf32, #tpu.memory_space<vmem>>, %arg7: memref<!tpu.dma_semaphore, #tpu.memory_space<semaphore_mem>>) attributes {dimension_semantics = [#tpu.dimension_semantics<core_parallel>, #tpu.dimension_semantics<subcore_parallel>], iteration_bounds = array<i64: 2, 16>, scalar_prefetch = 0 : i64, scratch_operands = 3 : i64, tpu.core_type = #tpu.core_type<sc_vector_subcore>, window_params = [{transform_indices = #map}, {transform_indices = #map1}, {transform_indices = #map}]} {
    %mul3A = arith.constant 2 : i32
    %mul3A_0 = arith.muli %arg1, %mul3A : i32
    %add3A = arith.addi %mul3A_0, %arg0 : i32
    %mul3A_1 = arith.constant 256 : i32
    %mul3A_2 = arith.muli %add3A, %mul3A_1 : i32
    %add3A_3 = arith.constant 0 : i32
    %add3A_4 = arith.addi %mul3A_2, %add3A_3 : i32
    %run_scoped3A = arith.constant 0 : i32
    "tpu.region"() ({
      %run_scoped3A_46 = tpu.sem_alloc : memref<!tpu.dma_semaphore, #tpu.memory_space<semaphore_mem>>
      %dma_start3A_47 = arith.constant 0 : i32
      %dma_start3A_48 = tpu.memref_slice %arg5[%run_scoped3A, %dma_start3A_47] : memref<2x128xi32, #tpu.memory_space<vmem>> -> memref<1x128xi32, #tpu.memory_space<vmem>>
      %dma_start3A_49 = tpu.memref_squeeze %dma_start3A_48 : memref<1x128xi32, #tpu.memory_space<vmem>> -> memref<128xi32, #tpu.memory_space<vmem>>
      %dma_start3A_50 = tpu.memref_slice %arg3[%add3A_4] : memref<8192xi32, #tpu.memory_space<hbm>> -> memref<128xi32, #tpu.memory_space<hbm>>
      %dma_start3A_51 = arith.constant 0 : i32
      %dma_start3A_52 = tpu.memref_slice %arg5[%run_scoped3A, %dma_start3A_51] : memref<2x128xi32, #tpu.memory_space<vmem>> -> memref<1x128xi32, #tpu.memory_space<vmem>>
      %dma_start3A_53 = tpu.memref_squeeze %dma_start3A_52 : memref<1x128xi32, #tpu.memory_space<vmem>> -> memref<128xi32, #tpu.memory_space<vmem>>
      %dma_start3A_54 = tpu.memref_slice %arg3[%add3A_4] : memref<8192xi32, #tpu.memory_space<hbm>> -> memref<128xi32, #tpu.memory_space<hbm>>
      tpu.enqueue_dma source(%dma_start3A_54 : memref<128xi32, #tpu.memory_space<hbm>>) target(%dma_start3A_53 : memref<128xi32, #tpu.memory_space<vmem>>) target_semaphore(%run_scoped3A_46 : memref<!tpu.dma_semaphore, #tpu.memory_space<semaphore_mem>>)
      %dma_wait3A_55 = arith.constant 0 : i32
      %dma_wait3A_56 = tpu.memref_slice %arg5[%run_scoped3A, %dma_wait3A_55] : memref<2x128xi32, #tpu.memory_space<vmem>> -> memref<1x128xi32, #tpu.memory_space<vmem>>
      %dma_wait3A_57 = tpu.memref_squeeze %dma_wait3A_56 : memref<1x128xi32, #tpu.memory_space<vmem>> -> memref<128xi32, #tpu.memory_space<vmem>>
      %dma_wait3A_58 = tpu.memref_slice %arg3[%add3A_4] : memref<8192xi32, #tpu.memory_space<hbm>> -> memref<128xi32, #tpu.memory_space<hbm>>
      %dma_wait3A_59 = arith.constant 0 : i32
      %dma_wait3A_60 = tpu.memref_slice %arg5[%run_scoped3A, %dma_wait3A_59] : memref<2x128xi32, #tpu.memory_space<vmem>> -> memref<1x128xi32, #tpu.memory_space<vmem>>
      %dma_wait3A_61 = tpu.memref_squeeze %dma_wait3A_60 : memref<1x128xi32, #tpu.memory_space<vmem>> -> memref<128xi32, #tpu.memory_space<vmem>>
      %dma_wait3A_62 = tpu.memref_slice %arg3[%add3A_4] : memref<8192xi32, #tpu.memory_space<hbm>> -> memref<128xi32, #tpu.memory_space<hbm>>
      tpu.wait_dma2 semaphore(%run_scoped3A_46 : memref<!tpu.dma_semaphore, #tpu.memory_space<semaphore_mem>>) src(%dma_wait3A_62 : memref<128xi32, #tpu.memory_space<hbm>>) dst(%dma_wait3A_61 : memref<128xi32, #tpu.memory_space<vmem>>)
      tpu.yield
    }) : () -> ()
    %dma_start3A = arith.constant 0 : i32
    %dma_start3A_5 = arith.constant 0 : i32
    %dma_start3A_6 = arith.constant 0 : i32
    %dma_start3A_7 = tpu.memref_slice %arg6[%dma_start3A_5, %dma_start3A_6] : memref<256x128xf32, #tpu.memory_space<vmem>> -> memref<128x128xf32, #tpu.memory_space<vmem>>
    %dma_start3A_8 = arith.constant 0 : i32
    %dma_start3A_9 = tpu.memref_slice %arg5[%dma_start3A, %dma_start3A_8] : memref<2x128xi32, #tpu.memory_space<vmem>> -> memref<1x128xi32, #tpu.memory_space<vmem>>
    %dma_start3A_10 = tpu.memref_squeeze %dma_start3A_9 : memref<1x128xi32, #tpu.memory_space<vmem>> -> memref<128xi32, #tpu.memory_space<vmem>>
    %dma_start3A_11 = arith.constant 0 : i32
    %dma_start3A_12 = arith.constant 0 : i32
    %dma_start3A_13 = tpu.memref_slice %arg2[%dma_start3A_11, %dma_start3A_12] : memref<1024x128xf32, #tpu.memory_space<hbm>> -> memref<1024x128xf32, #tpu.memory_space<hbm>>
    tpu.enqueue_indirect_dma source(%dma_start3A_13 : memref<1024x128xf32, #tpu.memory_space<hbm>>) target(%dma_start3A_7 : memref<128x128xf32, #tpu.memory_space<vmem>>) offsets(%dma_start3A_10 : memref<128xi32, #tpu.memory_space<vmem>>) semaphore(%arg7 : memref<!tpu.dma_semaphore, #tpu.memory_space<semaphore_mem>>)
    %dma_wait3A = arith.constant 0 : i32
    %dma_wait3A_14 = arith.constant 0 : i32
    %dma_wait3A_15 = arith.constant 0 : i32
    %dma_wait3A_16 = tpu.memref_slice %arg6[%dma_wait3A_14, %dma_wait3A_15] : memref<256x128xf32, #tpu.memory_space<vmem>> -> memref<128x128xf32, #tpu.memory_space<vmem>>
    %dma_wait3A_17 = arith.constant 0 : i32
    %dma_wait3A_18 = tpu.memref_slice %arg5[%dma_wait3A, %dma_wait3A_17] : memref<2x128xi32, #tpu.memory_space<vmem>> -> memref<1x128xi32, #tpu.memory_space<vmem>>
    %dma_wait3A_19 = tpu.memref_squeeze %dma_wait3A_18 : memref<1x128xi32, #tpu.memory_space<vmem>> -> memref<128xi32, #tpu.memory_space<vmem>>
    %dma_wait3A_20 = arith.constant 0 : i32
    %dma_wait3A_21 = arith.constant 0 : i32
    %dma_wait3A_22 = tpu.memref_slice %arg2[%dma_wait3A_20, %dma_wait3A_21] : memref<1024x128xf32, #tpu.memory_space<hbm>> -> memref<1024x128xf32, #tpu.memory_space<hbm>>
    tpu.wait_indirect_dma semaphore(%arg7 : memref<!tpu.dma_semaphore, #tpu.memory_space<semaphore_mem>>) src(%dma_wait3A_22 : memref<1024x128xf32, #tpu.memory_space<hbm>>) dst(%dma_wait3A_16 : memref<128x128xf32, #tpu.memory_space<vmem>>)
    %add3A_23 = arith.constant 128 : i32
    %add3A_24 = arith.addi %mul3A_2, %add3A_23 : i32
    %run_scoped3A_25 = arith.constant 1 : i32
    "tpu.region"() ({
      %run_scoped3A_46 = tpu.sem_alloc : memref<!tpu.dma_semaphore, #tpu.memory_space<semaphore_mem>>
      %dma_start3A_47 = arith.constant 0 : i32
      %dma_start3A_48 = tpu.memref_slice %arg5[%run_scoped3A_25, %dma_start3A_47] : memref<2x128xi32, #tpu.memory_space<vmem>> -> memref<1x128xi32, #tpu.memory_space<vmem>>
      %dma_start3A_49 = tpu.memref_squeeze %dma_start3A_48 : memref<1x128xi32, #tpu.memory_space<vmem>> -> memref<128xi32, #tpu.memory_space<vmem>>
      %dma_start3A_50 = tpu.memref_slice %arg3[%add3A_24] : memref<8192xi32, #tpu.memory_space<hbm>> -> memref<128xi32, #tpu.memory_space<hbm>>
      %dma_start3A_51 = arith.constant 0 : i32
      %dma_start3A_52 = tpu.memref_slice %arg5[%run_scoped3A_25, %dma_start3A_51] : memref<2x128xi32, #tpu.memory_space<vmem>> -> memref<1x128xi32, #tpu.memory_space<vmem>>
      %dma_start3A_53 = tpu.memref_squeeze %dma_start3A_52 : memref<1x128xi32, #tpu.memory_space<vmem>> -> memref<128xi32, #tpu.memory_space<vmem>>
      %dma_start3A_54 = tpu.memref_slice %arg3[%add3A_24] : memref<8192xi32, #tpu.memory_space<hbm>> -> memref<128xi32, #tpu.memory_space<hbm>>
      tpu.enqueue_dma source(%dma_start3A_54 : memref<128xi32, #tpu.memory_space<hbm>>) target(%dma_start3A_53 : memref<128xi32, #tpu.memory_space<vmem>>) target_semaphore(%run_scoped3A_46 : memref<!tpu.dma_semaphore, #tpu.memory_space<semaphore_mem>>)
      %dma_wait3A_55 = arith.constant 0 : i32
      %dma_wait3A_56 = tpu.memref_slice %arg5[%run_scoped3A_25, %dma_wait3A_55] : memref<2x128xi32, #tpu.memory_space<vmem>> -> memref<1x128xi32, #tpu.memory_space<vmem>>
      %dma_wait3A_57 = tpu.memref_squeeze %dma_wait3A_56 : memref<1x128xi32, #tpu.memory_space<vmem>> -> memref<128xi32, #tpu.memory_space<vmem>>
      %dma_wait3A_58 = tpu.memref_slice %arg3[%add3A_24] : memref<8192xi32, #tpu.memory_space<hbm>> -> memref<128xi32, #tpu.memory_space<hbm>>
      %dma_wait3A_59 = arith.constant 0 : i32
      %dma_wait3A_60 = tpu.memref_slice %arg5[%run_scoped3A_25, %dma_wait3A_59] : memref<2x128xi32, #tpu.memory_space<vmem>> -> memref<1x128xi32, #tpu.memory_space<vmem>>
      %dma_wait3A_61 = tpu.memref_squeeze %dma_wait3A_60 : memref<1x128xi32, #tpu.memory_space<vmem>> -> memref<128xi32, #tpu.memory_space<vmem>>
      %dma_wait3A_62 = tpu.memref_slice %arg3[%add3A_24] : memref<8192xi32, #tpu.memory_space<hbm>> -> memref<128xi32, #tpu.memory_space<hbm>>
      tpu.wait_dma2 semaphore(%run_scoped3A_46 : memref<!tpu.dma_semaphore, #tpu.memory_space<semaphore_mem>>) src(%dma_wait3A_62 : memref<128xi32, #tpu.memory_space<hbm>>) dst(%dma_wait3A_61 : memref<128xi32, #tpu.memory_space<vmem>>)
      tpu.yield
    }) : () -> ()
    %dma_start3A_26 = arith.constant 1 : i32
    %dma_start3A_27 = arith.constant 128 : i32
    %dma_start3A_28 = arith.constant 0 : i32
    %dma_start3A_29 = tpu.memref_slice %arg6[%dma_start3A_27, %dma_start3A_28] : memref<256x128xf32, #tpu.memory_space<vmem>> -> memref<128x128xf32, #tpu.memory_space<vmem>>
    %dma_start3A_30 = arith.constant 0 : i32
    %dma_start3A_31 = tpu.memref_slice %arg5[%dma_start3A_26, %dma_start3A_30] : memref<2x128xi32, #tpu.memory_space<vmem>> -> memref<1x128xi32, #tpu.memory_space<vmem>>
    %dma_start3A_32 = tpu.memref_squeeze %dma_start3A_31 : memref<1x128xi32, #tpu.memory_space<vmem>> -> memref<128xi32, #tpu.memory_space<vmem>>
    %dma_start3A_33 = arith.constant 0 : i32
    %dma_start3A_34 = arith.constant 0 : i32
    %dma_start3A_35 = tpu.memref_slice %arg2[%dma_start3A_33, %dma_start3A_34] : memref<1024x128xf32, #tpu.memory_space<hbm>> -> memref<1024x128xf32, #tpu.memory_space<hbm>>
    tpu.enqueue_indirect_dma source(%dma_start3A_35 : memref<1024x128xf32, #tpu.memory_space<hbm>>) target(%dma_start3A_29 : memref<128x128xf32, #tpu.memory_space<vmem>>) offsets(%dma_start3A_32 : memref<128xi32, #tpu.memory_space<vmem>>) semaphore(%arg7 : memref<!tpu.dma_semaphore, #tpu.memory_space<semaphore_mem>>)
    %dma_wait3A_36 = arith.constant 1 : i32
    %dma_wait3A_37 = arith.constant 128 : i32
    %dma_wait3A_38 = arith.constant 0 : i32
    %dma_wait3A_39 = tpu.memref_slice %arg6[%dma_wait3A_37, %dma_wait3A_38] : memref<256x128xf32, #tpu.memory_space<vmem>> -> memref<128x128xf32, #tpu.memory_space<vmem>>
    %dma_wait3A_40 = arith.constant 0 : i32
    %dma_wait3A_41 = tpu.memref_slice %arg5[%dma_wait3A_36, %dma_wait3A_40] : memref<2x128xi32, #tpu.memory_space<vmem>> -> memref<1x128xi32, #tpu.memory_space<vmem>>
    %dma_wait3A_42 = tpu.memref_squeeze %dma_wait3A_41 : memref<1x128xi32, #tpu.memory_space<vmem>> -> memref<128xi32, #tpu.memory_space<vmem>>
    %dma_wait3A_43 = arith.constant 0 : i32
    %dma_wait3A_44 = arith.constant 0 : i32
    %dma_wait3A_45 = tpu.memref_slice %arg2[%dma_wait3A_43, %dma_wait3A_44] : memref<1024x128xf32, #tpu.memory_space<hbm>> -> memref<1024x128xf32, #tpu.memory_space<hbm>>
    tpu.wait_indirect_dma semaphore(%arg7 : memref<!tpu.dma_semaphore, #tpu.memory_space<semaphore_mem>>) src(%dma_wait3A_45 : memref<1024x128xf32, #tpu.memory_space<hbm>>) dst(%dma_wait3A_39 : memref<128x128xf32, #tpu.memory_space<vmem>>)
    "tpu.region"() ({
      %run_scoped3A_46 = tpu.sem_alloc : memref<!tpu.dma_semaphore, #tpu.memory_space<semaphore_mem>>
      %dma_start3A_47 = arith.constant 0 : i32
      %dma_start3A_48 = tpu.memref_slice %arg4[%mul3A_2, %dma_start3A_47] : memref<8192x128xf32, #tpu.memory_space<hbm>> -> memref<256x128xf32, #tpu.memory_space<hbm>>
      %dma_start3A_49 = arith.constant 0 : i32
      %dma_start3A_50 = tpu.memref_slice %arg4[%mul3A_2, %dma_start3A_49] : memref<8192x128xf32, #tpu.memory_space<hbm>> -> memref<256x128xf32, #tpu.memory_space<hbm>>
      tpu.enqueue_dma source(%arg6 : memref<256x128xf32, #tpu.memory_space<vmem>>) target(%dma_start3A_50 : memref<256x128xf32, #tpu.memory_space<hbm>>) target_semaphore(%run_scoped3A_46 : memref<!tpu.dma_semaphore, #tpu.memory_space<semaphore_mem>>)
      %dma_wait3A_51 = arith.constant 0 : i32
      %dma_wait3A_52 = tpu.memref_slice %arg4[%mul3A_2, %dma_wait3A_51] : memref<8192x128xf32, #tpu.memory_space<hbm>> -> memref<256x128xf32, #tpu.memory_space<hbm>>
      %dma_wait3A_53 = arith.constant 0 : i32
      %dma_wait3A_54 = tpu.memref_slice %arg4[%mul3A_2, %dma_wait3A_53] : memref<8192x128xf32, #tpu.memory_space<hbm>> -> memref<256x128xf32, #tpu.memory_space<hbm>>
      tpu.wait_dma2 semaphore(%run_scoped3A_46 : memref<!tpu.dma_semaphore, #tpu.memory_space<semaphore_mem>>) src(%arg6 : memref<256x128xf32, #tpu.memory_space<vmem>>) dst(%dma_wait3A_54 : memref<256x128xf32, #tpu.memory_space<hbm>>)
      tpu.yield
    }) : () -> ()
    return
  }
}

module attributes {stable_mosaic.version = 14 : i64} {
  func.func @_ebase_body(%arg0: i32, %arg1: memref<512x128xf32, #tpu.memory_space<vmem>>, %arg2: memref<1x128xf32, #tpu.memory_space<vmem>>, %arg3: memref<1x128xf32, #tpu.memory_space<vmem>>, %arg4: memref<128x384xf32, #tpu.memory_space<vmem>>, %arg5: memref<1x384xf32, #tpu.memory_space<vmem>>, %arg6: memref<512x384xf32, #tpu.memory_space<vmem>>) attributes {dimension_semantics = [#tpu.dimension_semantics<arbitrary>], iteration_bounds = array<i64: 8>, scalar_prefetch = 0 : i64, scratch_operands = 0 : i64, tpu.core_type = #tpu.core_type<tc>, window_params = [{transform_indices = @transform_0, window_bounds = array<i64: 512, 128>}, {pipeline_mode = #tpu.pipeline_mode<synchronous>, transform_indices = @transform_1, window_bounds = array<i64: 1, 128>}, {pipeline_mode = #tpu.pipeline_mode<synchronous>, transform_indices = @transform_2, window_bounds = array<i64: 1, 128>}, {pipeline_mode = #tpu.pipeline_mode<synchronous>, transform_indices = @transform_3, window_bounds = array<i64: 128, 384>}, {pipeline_mode = #tpu.pipeline_mode<synchronous>, transform_indices = @transform_4, window_bounds = array<i64: 1, 384>}, {transform_indices = @transform_5, window_bounds = array<i64: 512, 384>}]} {
    %get3A = arith.constant 0 : index
    %get3A_0 = arith.constant 0 : index
    %get3A_1 = vector.load %arg1[%get3A, %get3A_0] : memref<512x128xf32, #tpu.memory_space<vmem>>, vector<512x128xf32>
    %get3A_2 = arith.constant 0 : index
    %get3A_3 = arith.constant 0 : index
    %get3A_4 = vector.load %arg2[%get3A_2, %get3A_3] : memref<1x128xf32, #tpu.memory_space<vmem>>, vector<1x128xf32>
    %get3A_5 = arith.constant 0 : index
    %get3A_6 = arith.constant 0 : index
    %get3A_7 = vector.load %arg3[%get3A_5, %get3A_6] : memref<1x128xf32, #tpu.memory_space<vmem>>, vector<1x128xf32>
    %reduce_sum3A = arith.constant dense<0.000000e+00> : vector<512xf32>
    %reduce_sum3A_8 = vector.multi_reduction <add>, %get3A_1, %reduce_sum3A [1] : vector<512x128xf32> to vector<512xf32>
    %broadcast_in_dim3A = vector.shape_cast %reduce_sum3A_8 : vector<512xf32> to vector<512x1xf32>
    %div3A = arith.constant 1.280000e+02 : f32
    %div3A_9 = vector.broadcast %div3A : f32 to vector<512x1xf32>
    %div3A_10 = arith.divf %broadcast_in_dim3A, %div3A_9 : vector<512x1xf32>
    %sub3A = vector.broadcast %div3A_10 : vector<512x1xf32> to vector<512x128xf32>
    %sub3A_11 = arith.subf %get3A_1, %sub3A : vector<512x128xf32>
    %integer_pow3A = arith.mulf %sub3A_11, %sub3A_11 : vector<512x128xf32>
    %reduce_sum3A_12 = arith.constant dense<0.000000e+00> : vector<512xf32>
    %reduce_sum3A_13 = vector.multi_reduction <add>, %integer_pow3A, %reduce_sum3A_12 [1] : vector<512x128xf32> to vector<512xf32>
    %broadcast_in_dim3A_14 = vector.shape_cast %reduce_sum3A_13 : vector<512xf32> to vector<512x1xf32>
    %div3A_15 = arith.constant 1.280000e+02 : f32
    %div3A_16 = vector.broadcast %div3A_15 : f32 to vector<512x1xf32>
    %div3A_17 = arith.divf %broadcast_in_dim3A_14, %div3A_16 : vector<512x1xf32>
    %sub3A_18 = vector.broadcast %div3A_10 : vector<512x1xf32> to vector<512x128xf32>
    %sub3A_19 = arith.subf %get3A_1, %sub3A_18 : vector<512x128xf32>
    %add3A = arith.constant 9.99999974E-6 : f32
    %add3A_20 = vector.broadcast %add3A : f32 to vector<512x1xf32>
    %add3A_21 = arith.addf %div3A_17, %add3A_20 : vector<512x1xf32>
    %sqrt3A = math.sqrt %add3A_21 : vector<512x1xf32>
    %div3A_22 = vector.broadcast %sqrt3A : vector<512x1xf32> to vector<512x128xf32>
    %div3A_23 = arith.divf %sub3A_19, %div3A_22 : vector<512x128xf32>
    %mul3A = vector.broadcast %get3A_4 : vector<1x128xf32> to vector<512x128xf32>
    %mul3A_24 = arith.mulf %div3A_23, %mul3A : vector<512x128xf32>
    %add3A_25 = vector.broadcast %get3A_7 : vector<1x128xf32> to vector<512x128xf32>
    %add3A_26 = arith.addf %mul3A_24, %add3A_25 : vector<512x128xf32>
    %get3A_27 = arith.constant 0 : index
    %get3A_28 = arith.constant 0 : index
    %get3A_29 = vector.load %arg4[%get3A_27, %get3A_28] : memref<128x384xf32, #tpu.memory_space<vmem>>, vector<128x384xf32>
    %dot_general3A = arith.constant dense<0.000000e+00> : vector<512x384xf32>
    %dot_general3A_30 = tpu.matmul %add3A_26, %get3A_29, %dot_general3A {dimension_numbers = #tpu.dot_dimension_numbers<[1], [0], [0], [1], [0, 0, 1, 1], [], []>, transpose_lhs_hint = false} : vector<512x128xf32>, vector<128x384xf32>, vector<512x384xf32> -> vector<512x384xf32>
    %get3A_31 = arith.constant 0 : index
    %get3A_32 = arith.constant 0 : index
    %get3A_33 = vector.load %arg5[%get3A_31, %get3A_32] : memref<1x384xf32, #tpu.memory_space<vmem>>, vector<1x384xf32>
    %add3A_34 = vector.broadcast %get3A_33 : vector<1x384xf32> to vector<512x384xf32>
    %add3A_35 = arith.addf %dot_general3A_30, %add3A_34 : vector<512x384xf32>
    %swap3A = arith.constant 0 : index
    %swap3A_36 = arith.constant 0 : index
    %swap3A_37 = vector.load %arg6[%swap3A, %swap3A_36] : memref<512x384xf32, #tpu.memory_space<vmem>>, vector<512x384xf32>
    tpu.vector_store %arg6[%swap3A, %swap3A_36], %add3A_35 {strides = array<i32>} : memref<512x384xf32, #tpu.memory_space<vmem>>, vector<512x384xf32>,
    return
  }
  func.func @transform_0(%arg0: i32) -> (i32, i32) {
    %c0_i32 = arith.constant 0 : i32
    %c0_i32_0 = arith.constant 0 : i32
    return %arg0, %c0_i32 : i32, i32
  }
  func.func @transform_1(%arg0: i32) -> (i32, i32) {
    %c0_i32 = arith.constant 0 : i32
    %c0_i32_0 = arith.constant 0 : i32
    %c0_i32_1 = arith.constant 0 : i32
    return %c0_i32, %c0_i32_0 : i32, i32
  }
  func.func @transform_2(%arg0: i32) -> (i32, i32) {
    %c0_i32 = arith.constant 0 : i32
    %c0_i32_0 = arith.constant 0 : i32
    %c0_i32_1 = arith.constant 0 : i32
    return %c0_i32, %c0_i32_0 : i32, i32
  }
  func.func @transform_3(%arg0: i32) -> (i32, i32) {
    %c0_i32 = arith.constant 0 : i32
    %c0_i32_0 = arith.constant 0 : i32
    %c0_i32_1 = arith.constant 0 : i32
    return %c0_i32, %c0_i32_0 : i32, i32
  }
  func.func @transform_4(%arg0: i32) -> (i32, i32) {
    %c0_i32 = arith.constant 0 : i32
    %c0_i32_0 = arith.constant 0 : i32
    %c0_i32_1 = arith.constant 0 : i32
    return %c0_i32, %c0_i32_0 : i32, i32
  }
  func.func @transform_5(%arg0: i32) -> (i32, i32) {
    %c0_i32 = arith.constant 0 : i32
    %c0_i32_0 = arith.constant 0 : i32
    return %arg0, %c0_i32 : i32, i32
  }
}

module attributes {stable_mosaic.version = 14 : i64} {
  func.func @_nagg_body(%arg0: i32, %arg1: memref<4096x8xf32, #tpu.memory_space<vmem>>, %arg2: memref<4096x128xf32, #tpu.memory_space<vmem>>, %arg3: memref<1x4096xi32, #tpu.memory_space<vmem>>, %arg4: memref<256x128xf32, #tpu.memory_space<vmem>>, %arg5: memref<128x128xf32, #tpu.memory_space<vmem>>, %arg6: memref<1x128xf32, #tpu.memory_space<vmem>>, %arg7: memref<1x128xf32, #tpu.memory_space<vmem>>, %arg8: memref<1x128xf32, #tpu.memory_space<vmem>>, %arg9: memref<128x256xf32, #tpu.memory_space<vmem>>, %arg10: memref<1x256xf32, #tpu.memory_space<vmem>>, %arg11: memref<256x128xf32, #tpu.memory_space<vmem>>, %arg12: memref<1x128xf32, #tpu.memory_space<vmem>>, %arg13: memref<256x128xf32, #tpu.memory_space<vmem>>) attributes {dimension_semantics = [#tpu.dimension_semantics<arbitrary>], iteration_bounds = array<i64: 4>, scalar_prefetch = 0 : i64, scratch_operands = 0 : i64, tpu.core_type = #tpu.core_type<tc>, window_params = [{pipeline_mode = #tpu.pipeline_mode<synchronous>, transform_indices = @transform_0, window_bounds = array<i64: 4096, 8>}, {pipeline_mode = #tpu.pipeline_mode<synchronous>, transform_indices = @transform_1, window_bounds = array<i64: 4096, 128>}, {pipeline_mode = #tpu.pipeline_mode<synchronous>, transform_indices = @transform_2, window_bounds = array<i64: 1, 4096>}, {transform_indices = @transform_3, window_bounds = array<i64: 256, 128>}, {pipeline_mode = #tpu.pipeline_mode<synchronous>, transform_indices = @transform_4, window_bounds = array<i64: 128, 128>}, {pipeline_mode = #tpu.pipeline_mode<synchronous>, transform_indices = @transform_5, window_bounds = array<i64: 1, 128>}, {pipeline_mode = #tpu.pipeline_mode<synchronous>, transform_indices = @transform_6, window_bounds = array<i64: 1, 128>}, {pipeline_mode = #tpu.pipeline_mode<synchronous>, transform_indices = @transform_7, window_bounds = array<i64: 1, 128>}, {pipeline_mode = #tpu.pipeline_mode<synchronous>, transform_indices = @transform_8, window_bounds = array<i64: 128, 256>}, {pipeline_mode = #tpu.pipeline_mode<synchronous>, transform_indices = @transform_9, window_bounds = array<i64: 1, 256>}, {pipeline_mode = #tpu.pipeline_mode<synchronous>, transform_indices = @transform_10, window_bounds = array<i64: 256, 128>}, {pipeline_mode = #tpu.pipeline_mode<synchronous>, transform_indices = @transform_11, window_bounds = array<i64: 1, 128>}, {transform_indices = @transform_12, window_bounds = array<i64: 256, 128>}]} {
    %get3A = arith.constant 0 : index
    %get3A_0 = arith.constant 0 : index
    %get3A_1 = vector.load %arg1[%get3A, %get3A_0] : memref<4096x8xf32, #tpu.memory_space<vmem>>, vector<4096x8xf32>
    %reduce_max3A = arith.constant dense<0xFF800000> : vector<8xf32>
    %reduce_max3A_2 = vector.multi_reduction <maximumf>, %get3A_1, %reduce_max3A [0] : vector<4096x8xf32> to vector<8xf32>
    %broadcast_in_dim3A = vector.shape_cast %reduce_max3A_2 : vector<8xf32> to vector<1x8xf32>
    %sub3A = vector.broadcast %broadcast_in_dim3A : vector<1x8xf32> to vector<4096x8xf32>
    %sub3A_3 = arith.subf %get3A_1, %sub3A : vector<4096x8xf32>
    %exp3A = math.exp %sub3A_3 : vector<4096x8xf32>
    %slice3A = vector.extract_strided_slice %exp3A {offsets = [0, 0], sizes = [4096, 1], strides = [1, 1]} : vector<4096x8xf32> to vector<4096x1xf32>
    %broadcast_in_dim3A_4 = vector.shape_cast %slice3A : vector<4096x1xf32> to vector<4096x1xf32>
    %broadcast_in_dim3A_5 = vector.broadcast %broadcast_in_dim3A_4 : vector<4096x1xf32> to vector<4096x16xf32>
    %slice3A_6 = vector.extract_strided_slice %exp3A {offsets = [0, 1], sizes = [4096, 1], strides = [1, 1]} : vector<4096x8xf32> to vector<4096x1xf32>
    %broadcast_in_dim3A_7 = vector.shape_cast %slice3A_6 : vector<4096x1xf32> to vector<4096x1xf32>
    %broadcast_in_dim3A_8 = vector.broadcast %broadcast_in_dim3A_7 : vector<4096x1xf32> to vector<4096x16xf32>
    %slice3A_9 = vector.extract_strided_slice %exp3A {offsets = [0, 2], sizes = [4096, 1], strides = [1, 1]} : vector<4096x8xf32> to vector<4096x1xf32>
    %broadcast_in_dim3A_10 = vector.shape_cast %slice3A_9 : vector<4096x1xf32> to vector<4096x1xf32>
    %broadcast_in_dim3A_11 = vector.broadcast %broadcast_in_dim3A_10 : vector<4096x1xf32> to vector<4096x16xf32>
    %slice3A_12 = vector.extract_strided_slice %exp3A {offsets = [0, 3], sizes = [4096, 1], strides = [1, 1]} : vector<4096x8xf32> to vector<4096x1xf32>
    %broadcast_in_dim3A_13 = vector.shape_cast %slice3A_12 : vector<4096x1xf32> to vector<4096x1xf32>
    %broadcast_in_dim3A_14 = vector.broadcast %broadcast_in_dim3A_13 : vector<4096x1xf32> to vector<4096x16xf32>
    %slice3A_15 = vector.extract_strided_slice %exp3A {offsets = [0, 4], sizes = [4096, 1], strides = [1, 1]} : vector<4096x8xf32> to vector<4096x1xf32>
    %broadcast_in_dim3A_16 = vector.shape_cast %slice3A_15 : vector<4096x1xf32> to vector<4096x1xf32>
    %broadcast_in_dim3A_17 = vector.broadcast %broadcast_in_dim3A_16 : vector<4096x1xf32> to vector<4096x16xf32>
    %slice3A_18 = vector.extract_strided_slice %exp3A {offsets = [0, 5], sizes = [4096, 1], strides = [1, 1]} : vector<4096x8xf32> to vector<4096x1xf32>
    %broadcast_in_dim3A_19 = vector.shape_cast %slice3A_18 : vector<4096x1xf32> to vector<4096x1xf32>
    %broadcast_in_dim3A_20 = vector.broadcast %broadcast_in_dim3A_19 : vector<4096x1xf32> to vector<4096x16xf32>
    %slice3A_21 = vector.extract_strided_slice %exp3A {offsets = [0, 6], sizes = [4096, 1], strides = [1, 1]} : vector<4096x8xf32> to vector<4096x1xf32>
    %broadcast_in_dim3A_22 = vector.shape_cast %slice3A_21 : vector<4096x1xf32> to vector<4096x1xf32>
    %broadcast_in_dim3A_23 = vector.broadcast %broadcast_in_dim3A_22 : vector<4096x1xf32> to vector<4096x16xf32>
    %slice3A_24 = vector.extract_strided_slice %exp3A {offsets = [0, 7], sizes = [4096, 1], strides = [1, 1]} : vector<4096x8xf32> to vector<4096x1xf32>
    %broadcast_in_dim3A_25 = vector.shape_cast %slice3A_24 : vector<4096x1xf32> to vector<4096x1xf32>
    %broadcast_in_dim3A_26 = vector.broadcast %broadcast_in_dim3A_25 : vector<4096x1xf32> to vector<4096x16xf32>
    %concatenate3A = tpu.concatenate %broadcast_in_dim3A_5, %broadcast_in_dim3A_8, %broadcast_in_dim3A_11, %broadcast_in_dim3A_14, %broadcast_in_dim3A_17, %broadcast_in_dim3A_20, %broadcast_in_dim3A_23, %broadcast_in_dim3A_26 in 1 : vector<4096x16xf32>, vector<4096x16xf32>, vector<4096x16xf32>, vector<4096x16xf32>, vector<4096x16xf32>, vector<4096x16xf32>, vector<4096x16xf32>, vector<4096x16xf32> -> vector<4096x128xf32>
    %get3A_27 = arith.constant 0 : index
    %get3A_28 = arith.constant 0 : index
    %get3A_29 = vector.load %arg2[%get3A_27, %get3A_28] : memref<4096x128xf32, #tpu.memory_space<vmem>>, vector<4096x128xf32>
    %mul3A = arith.mulf %concatenate3A, %get3A_29 : vector<4096x128xf32>
    %convert_element_type3A = arith.truncf %mul3A : vector<4096x128xf32> to vector<4096x128xbf16>
    %iota3A = tpu.iota {dimensions = array<i32: 0>} : vector<256x4096xi32>
    %mul3A_30 = arith.constant 256 : i32
    %mul3A_31 = arith.muli %arg0, %mul3A_30 : i32
    %add3A = vector.broadcast %mul3A_31 : i32 to vector<256x4096xi32>
    %add3A_32 = arith.addi %iota3A, %add3A : vector<256x4096xi32>
    %get3A_33 = arith.constant 0 : index
    %get3A_34 = arith.constant 0 : index
    %get3A_35 = vector.load %arg3[%get3A_33, %get3A_34] : memref<1x4096xi32, #tpu.memory_space<vmem>>, vector<1x4096xi32>
    %eq3A = vector.broadcast %get3A_35 : vector<1x4096xi32> to vector<256x4096xi32>
    %eq3A_36 = arith.cmpi eq, %add3A_32, %eq3A : vector<256x4096xi32>
    %jit3A = arith.constant 1.000000e+00 : f32
    %jit3A_37 = arith.constant 0.000000e+00 : f32
    %broadcast_in_dim3A_38 = vector.broadcast %jit3A : f32 to vector<256x4096xf32>
    %broadcast_in_dim3A_39 = vector.broadcast %jit3A_37 : f32 to vector<256x4096xf32>
    %select_n3A = arith.select %eq3A_36, %broadcast_in_dim3A_38, %broadcast_in_dim3A_39 : vector<256x4096xi1>, vector<256x4096xf32>
    %convert_element_type3A_40 = arith.truncf %select_n3A : vector<256x4096xf32> to vector<256x4096xbf16>
    %convert_element_type3A_41 = arith.truncf %exp3A : vector<4096x8xf32> to vector<4096x8xbf16>
    %dot_general3A = arith.constant dense<0.000000e+00> : vector<256x8xf32>
    %dot_general3A_42 = tpu.matmul %convert_element_type3A_40, %convert_element_type3A_41, %dot_general3A {dimension_numbers = #tpu.dot_dimension_numbers<[1], [0], [0], [1], [0, 0, 1, 1], [], []>, transpose_lhs_hint = false} : vector<256x4096xbf16>, vector<4096x8xbf16>, vector<256x8xf32> -> vector<256x8xf32>
    %dot_general3A_43 = arith.constant dense<0.000000e+00> : vector<256x128xf32>
    %dot_general3A_44 = tpu.matmul %convert_element_type3A_40, %convert_element_type3A, %dot_general3A_43 {dimension_numbers = #tpu.dot_dimension_numbers<[1], [0], [0], [1], [0, 0, 1, 1], [], []>, transpose_lhs_hint = false} : vector<256x4096xbf16>, vector<4096x128xbf16>, vector<256x128xf32> -> vector<256x128xf32>
    %slice3A_45 = vector.extract_strided_slice %dot_general3A_42 {offsets = [0, 0], sizes = [256, 1], strides = [1, 1]} : vector<256x8xf32> to vector<256x1xf32>
    %broadcast_in_dim3A_46 = vector.shape_cast %slice3A_45 : vector<256x1xf32> to vector<256x1xf32>
    %broadcast_in_dim3A_47 = vector.broadcast %broadcast_in_dim3A_46 : vector<256x1xf32> to vector<256x16xf32>
    %slice3A_48 = vector.extract_strided_slice %dot_general3A_42 {offsets = [0, 1], sizes = [256, 1], strides = [1, 1]} : vector<256x8xf32> to vector<256x1xf32>
    %broadcast_in_dim3A_49 = vector.shape_cast %slice3A_48 : vector<256x1xf32> to vector<256x1xf32>
    %broadcast_in_dim3A_50 = vector.broadcast %broadcast_in_dim3A_49 : vector<256x1xf32> to vector<256x16xf32>
    %slice3A_51 = vector.extract_strided_slice %dot_general3A_42 {offsets = [0, 2], sizes = [256, 1], strides = [1, 1]} : vector<256x8xf32> to vector<256x1xf32>
    %broadcast_in_dim3A_52 = vector.shape_cast %slice3A_51 : vector<256x1xf32> to vector<256x1xf32>
    %broadcast_in_dim3A_53 = vector.broadcast %broadcast_in_dim3A_52 : vector<256x1xf32> to vector<256x16xf32>
    %slice3A_54 = vector.extract_strided_slice %dot_general3A_42 {offsets = [0, 3], sizes = [256, 1], strides = [1, 1]} : vector<256x8xf32> to vector<256x1xf32>
    %broadcast_in_dim3A_55 = vector.shape_cast %slice3A_54 : vector<256x1xf32> to vector<256x1xf32>
    %broadcast_in_dim3A_56 = vector.broadcast %broadcast_in_dim3A_55 : vector<256x1xf32> to vector<256x16xf32>
    %slice3A_57 = vector.extract_strided_slice %dot_general3A_42 {offsets = [0, 4], sizes = [256, 1], strides = [1, 1]} : vector<256x8xf32> to vector<256x1xf32>
    %broadcast_in_dim3A_58 = vector.shape_cast %slice3A_57 : vector<256x1xf32> to vector<256x1xf32>
    %broadcast_in_dim3A_59 = vector.broadcast %broadcast_in_dim3A_58 : vector<256x1xf32> to vector<256x16xf32>
    %slice3A_60 = vector.extract_strided_slice %dot_general3A_42 {offsets = [0, 5], sizes = [256, 1], strides = [1, 1]} : vector<256x8xf32> to vector<256x1xf32>
    %broadcast_in_dim3A_61 = vector.shape_cast %slice3A_60 : vector<256x1xf32> to vector<256x1xf32>
    %broadcast_in_dim3A_62 = vector.broadcast %broadcast_in_dim3A_61 : vector<256x1xf32> to vector<256x16xf32>
    %slice3A_63 = vector.extract_strided_slice %dot_general3A_42 {offsets = [0, 6], sizes = [256, 1], strides = [1, 1]} : vector<256x8xf32> to vector<256x1xf32>
    %broadcast_in_dim3A_64 = vector.shape_cast %slice3A_63 : vector<256x1xf32> to vector<256x1xf32>
    %broadcast_in_dim3A_65 = vector.broadcast %broadcast_in_dim3A_64 : vector<256x1xf32> to vector<256x16xf32>
    %slice3A_66 = vector.extract_strided_slice %dot_general3A_42 {offsets = [0, 7], sizes = [256, 1], strides = [1, 1]} : vector<256x8xf32> to vector<256x1xf32>
    %broadcast_in_dim3A_67 = vector.shape_cast %slice3A_66 : vector<256x1xf32> to vector<256x1xf32>
    %broadcast_in_dim3A_68 = vector.broadcast %broadcast_in_dim3A_67 : vector<256x1xf32> to vector<256x16xf32>
    %concatenate3A_69 = tpu.concatenate %broadcast_in_dim3A_47, %broadcast_in_dim3A_50, %broadcast_in_dim3A_53, %broadcast_in_dim3A_56, %broadcast_in_dim3A_59, %broadcast_in_dim3A_62, %broadcast_in_dim3A_65, %broadcast_in_dim3A_68 in 1 : vector<256x16xf32>, vector<256x16xf32>, vector<256x16xf32>, vector<256x16xf32>, vector<256x16xf32>, vector<256x16xf32>, vector<256x16xf32>, vector<256x16xf32> -> vector<256x128xf32>
    %add3A_70 = arith.constant 1.000000e-16 : f32
    %add3A_71 = vector.broadcast %add3A_70 : f32 to vector<256x128xf32>
    %add3A_72 = arith.addf %concatenate3A_69, %add3A_71 : vector<256x128xf32>
    %div3A = arith.divf %dot_general3A_44, %add3A_72 : vector<256x128xf32>
    %get3A_73 = arith.constant 0 : index
    %get3A_74 = arith.constant 0 : index
    %get3A_75 = vector.load %arg5[%get3A_73, %get3A_74] : memref<128x128xf32, #tpu.memory_space<vmem>>, vector<128x128xf32>
    %dot_general3A_76 = arith.constant dense<0.000000e+00> : vector<256x128xf32>
    %dot_general3A_77 = tpu.matmul %div3A, %get3A_75, %dot_general3A_76 {dimension_numbers = #tpu.dot_dimension_numbers<[1], [0], [0], [1], [0, 0, 1, 1], [], []>, transpose_lhs_hint = false} : vector<256x128xf32>, vector<128x128xf32>, vector<256x128xf32> -> vector<256x128xf32>
    %get3A_78 = arith.constant 0 : index
    %get3A_79 = arith.constant 0 : index
    %get3A_80 = vector.load %arg6[%get3A_78, %get3A_79] : memref<1x128xf32, #tpu.memory_space<vmem>>, vector<1x128xf32>
    %add3A_81 = vector.broadcast %get3A_80 : vector<1x128xf32> to vector<256x128xf32>
    %add3A_82 = arith.addf %dot_general3A_77, %add3A_81 : vector<256x128xf32>
    %get3A_83 = arith.constant 0 : index
    %get3A_84 = arith.constant 0 : index
    %get3A_85 = vector.load %arg4[%get3A_83, %get3A_84] : memref<256x128xf32, #tpu.memory_space<vmem>>, vector<256x128xf32>
    %add3A_86 = arith.addf %add3A_82, %get3A_85 : vector<256x128xf32>
    %get3A_87 = arith.constant 0 : index
    %get3A_88 = arith.constant 0 : index
    %get3A_89 = vector.load %arg7[%get3A_87, %get3A_88] : memref<1x128xf32, #tpu.memory_space<vmem>>, vector<1x128xf32>
    %get3A_90 = arith.constant 0 : index
    %get3A_91 = arith.constant 0 : index
    %get3A_92 = vector.load %arg8[%get3A_90, %get3A_91] : memref<1x128xf32, #tpu.memory_space<vmem>>, vector<1x128xf32>
    %reduce_sum3A = arith.constant dense<0.000000e+00> : vector<256xf32>
    %reduce_sum3A_93 = vector.multi_reduction <add>, %add3A_86, %reduce_sum3A [1] : vector<256x128xf32> to vector<256xf32>
    %broadcast_in_dim3A_94 = vector.shape_cast %reduce_sum3A_93 : vector<256xf32> to vector<256x1xf32>
    %div3A_95 = arith.constant 1.280000e+02 : f32
    %div3A_96 = vector.broadcast %div3A_95 : f32 to vector<256x1xf32>
    %div3A_97 = arith.divf %broadcast_in_dim3A_94, %div3A_96 : vector<256x1xf32>
    %sub3A_98 = vector.broadcast %div3A_97 : vector<256x1xf32> to vector<256x128xf32>
    %sub3A_99 = arith.subf %add3A_86, %sub3A_98 : vector<256x128xf32>
    %integer_pow3A = arith.mulf %sub3A_99, %sub3A_99 : vector<256x128xf32>
    %reduce_sum3A_100 = arith.constant dense<0.000000e+00> : vector<256xf32>
    %reduce_sum3A_101 = vector.multi_reduction <add>, %integer_pow3A, %reduce_sum3A_100 [1] : vector<256x128xf32> to vector<256xf32>
    %broadcast_in_dim3A_102 = vector.shape_cast %reduce_sum3A_101 : vector<256xf32> to vector<256x1xf32>
    %div3A_103 = arith.constant 1.280000e+02 : f32
    %div3A_104 = vector.broadcast %div3A_103 : f32 to vector<256x1xf32>
    %div3A_105 = arith.divf %broadcast_in_dim3A_102, %div3A_104 : vector<256x1xf32>
    %sub3A_106 = vector.broadcast %div3A_97 : vector<256x1xf32> to vector<256x128xf32>
    %sub3A_107 = arith.subf %add3A_86, %sub3A_106 : vector<256x128xf32>
    %add3A_108 = arith.constant 9.99999974E-6 : f32
    %add3A_109 = vector.broadcast %add3A_108 : f32 to vector<256x1xf32>
    %add3A_110 = arith.addf %div3A_105, %add3A_109 : vector<256x1xf32>
    %sqrt3A = math.sqrt %add3A_110 : vector<256x1xf32>
    %div3A_111 = vector.broadcast %sqrt3A : vector<256x1xf32> to vector<256x128xf32>
    %div3A_112 = arith.divf %sub3A_107, %div3A_111 : vector<256x128xf32>
    %mul3A_113 = vector.broadcast %get3A_89 : vector<1x128xf32> to vector<256x128xf32>
    %mul3A_114 = arith.mulf %div3A_112, %mul3A_113 : vector<256x128xf32>
    %add3A_115 = vector.broadcast %get3A_92 : vector<1x128xf32> to vector<256x128xf32>
    %add3A_116 = arith.addf %mul3A_114, %add3A_115 : vector<256x128xf32>
    %get3A_117 = arith.constant 0 : index
    %get3A_118 = arith.constant 0 : index
    %get3A_119 = vector.load %arg9[%get3A_117, %get3A_118] : memref<128x256xf32, #tpu.memory_space<vmem>>, vector<128x256xf32>
    %dot_general3A_120 = arith.constant dense<0.000000e+00> : vector<256x256xf32>
    %dot_general3A_121 = tpu.matmul %add3A_116, %get3A_119, %dot_general3A_120 {dimension_numbers = #tpu.dot_dimension_numbers<[1], [0], [0], [1], [0, 0, 1, 1], [], []>, transpose_lhs_hint = false} : vector<256x128xf32>, vector<128x256xf32>, vector<256x256xf32> -> vector<256x256xf32>
    %get3A_122 = arith.constant 0 : index
    %get3A_123 = arith.constant 0 : index
    %get3A_124 = vector.load %arg10[%get3A_122, %get3A_123] : memref<1x256xf32, #tpu.memory_space<vmem>>, vector<1x256xf32>
    %add3A_125 = vector.broadcast %get3A_124 : vector<1x256xf32> to vector<256x256xf32>
    %add3A_126 = arith.addf %dot_general3A_121, %add3A_125 : vector<256x256xf32>
    %max3A = arith.constant 0.000000e+00 : f32
    %max3A_127 = vector.broadcast %max3A : f32 to vector<256x256xf32>
    %max3A_128 = arith.maximumf %add3A_126, %max3A_127 : vector<256x256xf32>
    %get3A_129 = arith.constant 0 : index
    %get3A_130 = arith.constant 0 : index
    %get3A_131 = vector.load %arg11[%get3A_129, %get3A_130] : memref<256x128xf32, #tpu.memory_space<vmem>>, vector<256x128xf32>
    %dot_general3A_132 = arith.constant dense<0.000000e+00> : vector<256x128xf32>
    %dot_general3A_133 = tpu.matmul %max3A_128, %get3A_131, %dot_general3A_132 {dimension_numbers = #tpu.dot_dimension_numbers<[1], [0], [0], [1], [0, 0, 1, 1], [], []>, transpose_lhs_hint = false} : vector<256x256xf32>, vector<256x128xf32>, vector<256x128xf32> -> vector<256x128xf32>
    %get3A_134 = arith.constant 0 : index
    %get3A_135 = arith.constant 0 : index
    %get3A_136 = vector.load %arg12[%get3A_134, %get3A_135] : memref<1x128xf32, #tpu.memory_space<vmem>>, vector<1x128xf32>
    %add3A_137 = vector.broadcast %get3A_136 : vector<1x128xf32> to vector<256x128xf32>
    %add3A_138 = arith.addf %dot_general3A_133, %add3A_137 : vector<256x128xf32>
    %add3A_139 = arith.addf %add3A_138, %add3A_86 : vector<256x128xf32>
    %swap3A = arith.constant 0 : index
    %swap3A_140 = arith.constant 0 : index
    %swap3A_141 = vector.load %arg13[%swap3A, %swap3A_140] : memref<256x128xf32, #tpu.memory_space<vmem>>, vector<256x128xf32>
    tpu.vector_store %arg13[%swap3A, %swap3A_140], %add3A_139 {strides = array<i32>} : memref<256x128xf32, #tpu.memory_space<vmem>>, vector<256x128xf32>,
    return
  }
  func.func @transform_0(%arg0: i32) -> (i32, i32) {
    %c0_i32 = arith.constant 0 : i32
    %c0_i32_0 = arith.constant 0 : i32
    %c0_i32_1 = arith.constant 0 : i32
    return %c0_i32, %c0_i32_0 : i32, i32
  }
  func.func @transform_1(%arg0: i32) -> (i32, i32) {
    %c0_i32 = arith.constant 0 : i32
    %c0_i32_0 = arith.constant 0 : i32
    %c0_i32_1 = arith.constant 0 : i32
    return %c0_i32, %c0_i32_0 : i32, i32
  }
  func.func @transform_2(%arg0: i32) -> (i32, i32) {
    %c0_i32 = arith.constant 0 : i32
    %c0_i32_0 = arith.constant 0 : i32
    %c0_i32_1 = arith.constant 0 : i32
    return %c0_i32, %c0_i32_0 : i32, i32
  }
  func.func @transform_3(%arg0: i32) -> (i32, i32) {
    %c0_i32 = arith.constant 0 : i32
    %c0_i32_0 = arith.constant 0 : i32
    return %arg0, %c0_i32 : i32, i32
  }
  func.func @transform_4(%arg0: i32) -> (i32, i32) {
    %c0_i32 = arith.constant 0 : i32
    %c0_i32_0 = arith.constant 0 : i32
    %c0_i32_1 = arith.constant 0 : i32
    return %c0_i32, %c0_i32_0 : i32, i32
  }
  func.func @transform_5(%arg0: i32) -> (i32, i32) {
    %c0_i32 = arith.constant 0 : i32
    %c0_i32_0 = arith.constant 0 : i32
    %c0_i32_1 = arith.constant 0 : i32
    return %c0_i32, %c0_i32_0 : i32, i32
  }
  func.func @transform_6(%arg0: i32) -> (i32, i32) {
    %c0_i32 = arith.constant 0 : i32
    %c0_i32_0 = arith.constant 0 : i32
    %c0_i32_1 = arith.constant 0 : i32
    return %c0_i32, %c0_i32_0 : i32, i32
  }
  func.func @transform_7(%arg0: i32) -> (i32, i32) {
    %c0_i32 = arith.constant 0 : i32
    %c0_i32_0 = arith.constant 0 : i32
    %c0_i32_1 = arith.constant 0 : i32
    return %c0_i32, %c0_i32_0 : i32, i32
  }
  func.func @transform_8(%arg0: i32) -> (i32, i32) {
    %c0_i32 = arith.constant 0 : i32
    %c0_i32_0 = arith.constant 0 : i32
    %c0_i32_1 = arith.constant 0 : i32
    return %c0_i32, %c0_i32_0 : i32, i32
  }
  func.func @transform_9(%arg0: i32) -> (i32, i32) {
    %c0_i32 = arith.constant 0 : i32
    %c0_i32_0 = arith.constant 0 : i32
    %c0_i32_1 = arith.constant 0 : i32
    return %c0_i32, %c0_i32_0 : i32, i32
  }
  func.func @transform_10(%arg0: i32) -> (i32, i32) {
    %c0_i32 = arith.constant 0 : i32
    %c0_i32_0 = arith.constant 0 : i32
    %c0_i32_1 = arith.constant 0 : i32
    return %c0_i32, %c0_i32_0 : i32, i32
  }
  func.func @transform_11(%arg0: i32) -> (i32, i32) {
    %c0_i32 = arith.constant 0 : i32
    %c0_i32_0 = arith.constant 0 : i32
    %c0_i32_1 = arith.constant 0 : i32
    return %c0_i32, %c0_i32_0 : i32, i32
  }
  func.func @transform_12(%arg0: i32) -> (i32, i32) {
    %c0_i32 = arith.constant 0 : i32
    %c0_i32_0 = arith.constant 0 : i32
    return %arg0, %c0_i32 : i32, i32
  }
}

module attributes {stable_mosaic.version = 14 : i64} {
  func.func @_nprep_body(%arg0: i32, %arg1: memref<512x384xf32, #tpu.memory_space<vmem>>, %arg2: memref<512x128xf32, #tpu.memory_space<vmem>>, %arg3: memref<512x128xf32, #tpu.memory_space<vmem>>, %arg4: memref<1x128xf32, #tpu.memory_space<vmem>>, %arg5: memref<1x128xf32, #tpu.memory_space<vmem>>, %arg6: memref<128x128xf32, #tpu.memory_space<vmem>>, %arg7: memref<1x128xf32, #tpu.memory_space<vmem>>, %arg8: memref<128x256xf32, #tpu.memory_space<vmem>>, %arg9: memref<1x256xf32, #tpu.memory_space<vmem>>, %arg10: memref<512x8xf32, #tpu.memory_space<vmem>>, %arg11: memref<512x128xf32, #tpu.memory_space<vmem>>) attributes {dimension_semantics = [#tpu.dimension_semantics<arbitrary>], iteration_bounds = array<i64: 8>, scalar_prefetch = 0 : i64, scratch_operands = 0 : i64, tpu.core_type = #tpu.core_type<tc>, window_params = [{transform_indices = @transform_0, window_bounds = array<i64: 512, 384>}, {transform_indices = @transform_1, window_bounds = array<i64: 512, 128>}, {transform_indices = @transform_2, window_bounds = array<i64: 512, 128>}, {pipeline_mode = #tpu.pipeline_mode<synchronous>, transform_indices = @transform_3, window_bounds = array<i64: 1, 128>}, {pipeline_mode = #tpu.pipeline_mode<synchronous>, transform_indices = @transform_4, window_bounds = array<i64: 1, 128>}, {pipeline_mode = #tpu.pipeline_mode<synchronous>, transform_indices = @transform_5, window_bounds = array<i64: 128, 128>}, {pipeline_mode = #tpu.pipeline_mode<synchronous>, transform_indices = @transform_6, window_bounds = array<i64: 1, 128>}, {pipeline_mode = #tpu.pipeline_mode<synchronous>, transform_indices = @transform_7, window_bounds = array<i64: 128, 256>}, {pipeline_mode = #tpu.pipeline_mode<synchronous>, transform_indices = @transform_8, window_bounds = array<i64: 1, 256>}, {transform_indices = @transform_9, window_bounds = array<i64: 512, 8>}, {transform_indices = @transform_10, window_bounds = array<i64: 512, 128>}]} {
    %get3A = arith.constant 0 : index
    %get3A_0 = arith.constant 0 : index
    %get3A_1 = vector.load %arg1[%get3A, %get3A_0] : memref<512x384xf32, #tpu.memory_space<vmem>>, vector<512x384xf32>
    %get3A_2 = arith.constant 0 : index
    %get3A_3 = arith.constant 0 : index
    %get3A_4 = vector.load %arg2[%get3A_2, %get3A_3] : memref<512x128xf32, #tpu.memory_space<vmem>>, vector<512x128xf32>
    %get3A_5 = arith.constant 0 : index
    %get3A_6 = arith.constant 0 : index
    %get3A_7 = vector.load %arg4[%get3A_5, %get3A_6] : memref<1x128xf32, #tpu.memory_space<vmem>>, vector<1x128xf32>
    %get3A_8 = arith.constant 0 : index
    %get3A_9 = arith.constant 0 : index
    %get3A_10 = vector.load %arg5[%get3A_8, %get3A_9] : memref<1x128xf32, #tpu.memory_space<vmem>>, vector<1x128xf32>
    %reduce_sum3A = arith.constant dense<0.000000e+00> : vector<512xf32>
    %reduce_sum3A_11 = vector.multi_reduction <add>, %get3A_4, %reduce_sum3A [1] : vector<512x128xf32> to vector<512xf32>
    %broadcast_in_dim3A = vector.shape_cast %reduce_sum3A_11 : vector<512xf32> to vector<512x1xf32>
    %div3A = arith.constant 1.280000e+02 : f32
    %div3A_12 = vector.broadcast %div3A : f32 to vector<512x1xf32>
    %div3A_13 = arith.divf %broadcast_in_dim3A, %div3A_12 : vector<512x1xf32>
    %sub3A = vector.broadcast %div3A_13 : vector<512x1xf32> to vector<512x128xf32>
    %sub3A_14 = arith.subf %get3A_4, %sub3A : vector<512x128xf32>
    %integer_pow3A = arith.mulf %sub3A_14, %sub3A_14 : vector<512x128xf32>
    %reduce_sum3A_15 = arith.constant dense<0.000000e+00> : vector<512xf32>
    %reduce_sum3A_16 = vector.multi_reduction <add>, %integer_pow3A, %reduce_sum3A_15 [1] : vector<512x128xf32> to vector<512xf32>
    %broadcast_in_dim3A_17 = vector.shape_cast %reduce_sum3A_16 : vector<512xf32> to vector<512x1xf32>
    %div3A_18 = arith.constant 1.280000e+02 : f32
    %div3A_19 = vector.broadcast %div3A_18 : f32 to vector<512x1xf32>
    %div3A_20 = arith.divf %broadcast_in_dim3A_17, %div3A_19 : vector<512x1xf32>
    %sub3A_21 = vector.broadcast %div3A_13 : vector<512x1xf32> to vector<512x128xf32>
    %sub3A_22 = arith.subf %get3A_4, %sub3A_21 : vector<512x128xf32>
    %add3A = arith.constant 9.99999974E-6 : f32
    %add3A_23 = vector.broadcast %add3A : f32 to vector<512x1xf32>
    %add3A_24 = arith.addf %div3A_20, %add3A_23 : vector<512x1xf32>
    %sqrt3A = math.sqrt %add3A_24 : vector<512x1xf32>
    %div3A_25 = vector.broadcast %sqrt3A : vector<512x1xf32> to vector<512x128xf32>
    %div3A_26 = arith.divf %sub3A_22, %div3A_25 : vector<512x128xf32>
    %mul3A = vector.broadcast %get3A_7 : vector<1x128xf32> to vector<512x128xf32>
    %mul3A_27 = arith.mulf %div3A_26, %mul3A : vector<512x128xf32>
    %add3A_28 = vector.broadcast %get3A_10 : vector<1x128xf32> to vector<512x128xf32>
    %add3A_29 = arith.addf %mul3A_27, %add3A_28 : vector<512x128xf32>
    %get3A_30 = arith.constant 0 : index
    %get3A_31 = arith.constant 0 : index
    %get3A_32 = vector.load %arg3[%get3A_30, %get3A_31] : memref<512x128xf32, #tpu.memory_space<vmem>>, vector<512x128xf32>
    %get3A_33 = arith.constant 0 : index
    %get3A_34 = arith.constant 0 : index
    %get3A_35 = vector.load %arg4[%get3A_33, %get3A_34] : memref<1x128xf32, #tpu.memory_space<vmem>>, vector<1x128xf32>
    %get3A_36 = arith.constant 0 : index
    %get3A_37 = arith.constant 0 : index
    %get3A_38 = vector.load %arg5[%get3A_36, %get3A_37] : memref<1x128xf32, #tpu.memory_space<vmem>>, vector<1x128xf32>
    %reduce_sum3A_39 = arith.constant dense<0.000000e+00> : vector<512xf32>
    %reduce_sum3A_40 = vector.multi_reduction <add>, %get3A_32, %reduce_sum3A_39 [1] : vector<512x128xf32> to vector<512xf32>
    %broadcast_in_dim3A_41 = vector.shape_cast %reduce_sum3A_40 : vector<512xf32> to vector<512x1xf32>
    %div3A_42 = arith.constant 1.280000e+02 : f32
    %div3A_43 = vector.broadcast %div3A_42 : f32 to vector<512x1xf32>
    %div3A_44 = arith.divf %broadcast_in_dim3A_41, %div3A_43 : vector<512x1xf32>
    %sub3A_45 = vector.broadcast %div3A_44 : vector<512x1xf32> to vector<512x128xf32>
    %sub3A_46 = arith.subf %get3A_32, %sub3A_45 : vector<512x128xf32>
    %integer_pow3A_47 = arith.mulf %sub3A_46, %sub3A_46 : vector<512x128xf32>
    %reduce_sum3A_48 = arith.constant dense<0.000000e+00> : vector<512xf32>
    %reduce_sum3A_49 = vector.multi_reduction <add>, %integer_pow3A_47, %reduce_sum3A_48 [1] : vector<512x128xf32> to vector<512xf32>
    %broadcast_in_dim3A_50 = vector.shape_cast %reduce_sum3A_49 : vector<512xf32> to vector<512x1xf32>
    %div3A_51 = arith.constant 1.280000e+02 : f32
    %div3A_52 = vector.broadcast %div3A_51 : f32 to vector<512x1xf32>
    %div3A_53 = arith.divf %broadcast_in_dim3A_50, %div3A_52 : vector<512x1xf32>
    %sub3A_54 = vector.broadcast %div3A_44 : vector<512x1xf32> to vector<512x128xf32>
    %sub3A_55 = arith.subf %get3A_32, %sub3A_54 : vector<512x128xf32>
    %add3A_56 = arith.constant 9.99999974E-6 : f32
    %add3A_57 = vector.broadcast %add3A_56 : f32 to vector<512x1xf32>
    %add3A_58 = arith.addf %div3A_53, %add3A_57 : vector<512x1xf32>
    %sqrt3A_59 = math.sqrt %add3A_58 : vector<512x1xf32>
    %div3A_60 = vector.broadcast %sqrt3A_59 : vector<512x1xf32> to vector<512x128xf32>
    %div3A_61 = arith.divf %sub3A_55, %div3A_60 : vector<512x128xf32>
    %mul3A_62 = vector.broadcast %get3A_35 : vector<1x128xf32> to vector<512x128xf32>
    %mul3A_63 = arith.mulf %div3A_61, %mul3A_62 : vector<512x128xf32>
    %add3A_64 = vector.broadcast %get3A_38 : vector<1x128xf32> to vector<512x128xf32>
    %add3A_65 = arith.addf %mul3A_63, %add3A_64 : vector<512x128xf32>
    %slice3A = vector.extract_strided_slice %get3A_1 {offsets = [0, 0], sizes = [512, 128], strides = [1, 1]} : vector<512x384xf32> to vector<512x128xf32>
    %get3A_66 = arith.constant 0 : index
    %get3A_67 = arith.constant 0 : index
    %get3A_68 = vector.load %arg6[%get3A_66, %get3A_67] : memref<128x128xf32, #tpu.memory_space<vmem>>, vector<128x128xf32>
    %dot_general3A = arith.constant dense<0.000000e+00> : vector<512x128xf32>
    %dot_general3A_69 = tpu.matmul %add3A_29, %get3A_68, %dot_general3A {dimension_numbers = #tpu.dot_dimension_numbers<[1], [0], [0], [1], [0, 0, 1, 1], [], []>, transpose_lhs_hint = false} : vector<512x128xf32>, vector<128x128xf32>, vector<512x128xf32> -> vector<512x128xf32>
    %add3A_70 = arith.addf %slice3A, %dot_general3A_69 : vector<512x128xf32>
    %get3A_71 = arith.constant 0 : index
    %get3A_72 = arith.constant 0 : index
    %get3A_73 = vector.load %arg7[%get3A_71, %get3A_72] : memref<1x128xf32, #tpu.memory_space<vmem>>, vector<1x128xf32>
    %add3A_74 = vector.broadcast %get3A_73 : vector<1x128xf32> to vector<512x128xf32>
    %add3A_75 = arith.addf %add3A_70, %add3A_74 : vector<512x128xf32>
    %slice3A_76 = vector.extract_strided_slice %get3A_1 {offsets = [0, 128], sizes = [512, 256], strides = [1, 1]} : vector<512x384xf32> to vector<512x256xf32>
    %get3A_77 = arith.constant 0 : index
    %get3A_78 = arith.constant 0 : index
    %get3A_79 = vector.load %arg8[%get3A_77, %get3A_78] : memref<128x256xf32, #tpu.memory_space<vmem>>, vector<128x256xf32>
    %dot_general3A_80 = arith.constant dense<0.000000e+00> : vector<512x256xf32>
    %dot_general3A_81 = tpu.matmul %add3A_65, %get3A_79, %dot_general3A_80 {dimension_numbers = #tpu.dot_dimension_numbers<[1], [0], [0], [1], [0, 0, 1, 1], [], []>, transpose_lhs_hint = false} : vector<512x128xf32>, vector<128x256xf32>, vector<512x256xf32> -> vector<512x256xf32>
    %add3A_82 = arith.addf %slice3A_76, %dot_general3A_81 : vector<512x256xf32>
    %get3A_83 = arith.constant 0 : index
    %get3A_84 = arith.constant 0 : index
    %get3A_85 = vector.load %arg9[%get3A_83, %get3A_84] : memref<1x256xf32, #tpu.memory_space<vmem>>, vector<1x256xf32>
    %add3A_86 = vector.broadcast %get3A_85 : vector<1x256xf32> to vector<512x256xf32>
    %add3A_87 = arith.addf %add3A_82, %add3A_86 : vector<512x256xf32>
    %slice3A_88 = vector.extract_strided_slice %add3A_87 {offsets = [0, 128], sizes = [512, 128], strides = [1, 1]} : vector<512x256xf32> to vector<512x128xf32>
    %swap3A = arith.constant 0 : index
    %swap3A_89 = arith.constant 0 : index
    %swap3A_90 = vector.load %arg11[%swap3A, %swap3A_89] : memref<512x128xf32, #tpu.memory_space<vmem>>, vector<512x128xf32>
    tpu.vector_store %arg11[%swap3A, %swap3A_89], %slice3A_88 {strides = array<i32>} : memref<512x128xf32, #tpu.memory_space<vmem>>, vector<512x128xf32>,
    %slice3A_91 = vector.extract_strided_slice %add3A_87 {offsets = [0, 0], sizes = [512, 128], strides = [1, 1]} : vector<512x256xf32> to vector<512x128xf32>
    %mul3A_92 = arith.mulf %add3A_75, %slice3A_91 : vector<512x128xf32>
    %slice3A_93 = vector.extract_strided_slice %mul3A_92 {offsets = [0, 0], sizes = [512, 16], strides = [1, 1]} : vector<512x128xf32> to vector<512x16xf32>
    %reduce_sum3A_94 = arith.constant dense<0.000000e+00> : vector<512xf32>
    %reduce_sum3A_95 = vector.multi_reduction <add>, %slice3A_93, %reduce_sum3A_94 [1] : vector<512x16xf32> to vector<512xf32>
    %broadcast_in_dim3A_96 = vector.shape_cast %reduce_sum3A_95 : vector<512xf32> to vector<512x1xf32>
    %slice3A_97 = vector.extract_strided_slice %mul3A_92 {offsets = [0, 16], sizes = [512, 16], strides = [1, 1]} : vector<512x128xf32> to vector<512x16xf32>
    %reduce_sum3A_98 = arith.constant dense<0.000000e+00> : vector<512xf32>
    %reduce_sum3A_99 = vector.multi_reduction <add>, %slice3A_97, %reduce_sum3A_98 [1] : vector<512x16xf32> to vector<512xf32>
    %broadcast_in_dim3A_100 = vector.shape_cast %reduce_sum3A_99 : vector<512xf32> to vector<512x1xf32>
    %slice3A_101 = vector.extract_strided_slice %mul3A_92 {offsets = [0, 32], sizes = [512, 16], strides = [1, 1]} : vector<512x128xf32> to vector<512x16xf32>
    %reduce_sum3A_102 = arith.constant dense<0.000000e+00> : vector<512xf32>
    %reduce_sum3A_103 = vector.multi_reduction <add>, %slice3A_101, %reduce_sum3A_102 [1] : vector<512x16xf32> to vector<512xf32>
    %broadcast_in_dim3A_104 = vector.shape_cast %reduce_sum3A_103 : vector<512xf32> to vector<512x1xf32>
    %slice3A_105 = vector.extract_strided_slice %mul3A_92 {offsets = [0, 48], sizes = [512, 16], strides = [1, 1]} : vector<512x128xf32> to vector<512x16xf32>
    %reduce_sum3A_106 = arith.constant dense<0.000000e+00> : vector<512xf32>
    %reduce_sum3A_107 = vector.multi_reduction <add>, %slice3A_105, %reduce_sum3A_106 [1] : vector<512x16xf32> to vector<512xf32>
    %broadcast_in_dim3A_108 = vector.shape_cast %reduce_sum3A_107 : vector<512xf32> to vector<512x1xf32>
    %slice3A_109 = vector.extract_strided_slice %mul3A_92 {offsets = [0, 64], sizes = [512, 16], strides = [1, 1]} : vector<512x128xf32> to vector<512x16xf32>
    %reduce_sum3A_110 = arith.constant dense<0.000000e+00> : vector<512xf32>
    %reduce_sum3A_111 = vector.multi_reduction <add>, %slice3A_109, %reduce_sum3A_110 [1] : vector<512x16xf32> to vector<512xf32>
    %broadcast_in_dim3A_112 = vector.shape_cast %reduce_sum3A_111 : vector<512xf32> to vector<512x1xf32>
    %slice3A_113 = vector.extract_strided_slice %mul3A_92 {offsets = [0, 80], sizes = [512, 16], strides = [1, 1]} : vector<512x128xf32> to vector<512x16xf32>
    %reduce_sum3A_114 = arith.constant dense<0.000000e+00> : vector<512xf32>
    %reduce_sum3A_115 = vector.multi_reduction <add>, %slice3A_113, %reduce_sum3A_114 [1] : vector<512x16xf32> to vector<512xf32>
    %broadcast_in_dim3A_116 = vector.shape_cast %reduce_sum3A_115 : vector<512xf32> to vector<512x1xf32>
    %slice3A_117 = vector.extract_strided_slice %mul3A_92 {offsets = [0, 96], sizes = [512, 16], strides = [1, 1]} : vector<512x128xf32> to vector<512x16xf32>
    %reduce_sum3A_118 = arith.constant dense<0.000000e+00> : vector<512xf32>
    %reduce_sum3A_119 = vector.multi_reduction <add>, %slice3A_117, %reduce_sum3A_118 [1] : vector<512x16xf32> to vector<512xf32>
    %broadcast_in_dim3A_120 = vector.shape_cast %reduce_sum3A_119 : vector<512xf32> to vector<512x1xf32>
    %slice3A_121 = vector.extract_strided_slice %mul3A_92 {offsets = [0, 112], sizes = [512, 16], strides = [1, 1]} : vector<512x128xf32> to vector<512x16xf32>
    %reduce_sum3A_122 = arith.constant dense<0.000000e+00> : vector<512xf32>
    %reduce_sum3A_123 = vector.multi_reduction <add>, %slice3A_121, %reduce_sum3A_122 [1] : vector<512x16xf32> to vector<512xf32>
    %broadcast_in_dim3A_124 = vector.shape_cast %reduce_sum3A_123 : vector<512xf32> to vector<512x1xf32>
    %concatenate3A = tpu.concatenate %broadcast_in_dim3A_96, %broadcast_in_dim3A_100, %broadcast_in_dim3A_104, %broadcast_in_dim3A_108, %broadcast_in_dim3A_112, %broadcast_in_dim3A_116, %broadcast_in_dim3A_120, %broadcast_in_dim3A_124 in 1 : vector<512x1xf32>, vector<512x1xf32>, vector<512x1xf32>, vector<512x1xf32>, vector<512x1xf32>, vector<512x1xf32>, vector<512x1xf32>, vector<512x1xf32> -> vector<512x8xf32>
    %mul3A_125 = arith.constant 2.500000e-01 : f32
    %mul3A_126 = vector.broadcast %mul3A_125 : f32 to vector<512x8xf32>
    %mul3A_127 = arith.mulf %concatenate3A, %mul3A_126 : vector<512x8xf32>
    %swap3A_128 = arith.constant 0 : index
    %swap3A_129 = arith.constant 0 : index
    %swap3A_130 = vector.load %arg10[%swap3A_128, %swap3A_129] : memref<512x8xf32, #tpu.memory_space<vmem>>, vector<512x8xf32>
    tpu.vector_store %arg10[%swap3A_128, %swap3A_129], %mul3A_127 {strides = array<i32>} : memref<512x8xf32, #tpu.memory_space<vmem>>, vector<512x8xf32>,
    return
  }
  func.func @transform_0(%arg0: i32) -> (i32, i32) {
    %c0_i32 = arith.constant 0 : i32
    %c0_i32_0 = arith.constant 0 : i32
    return %arg0, %c0_i32 : i32, i32
  }
  func.func @transform_1(%arg0: i32) -> (i32, i32) {
    %c0_i32 = arith.constant 0 : i32
    %c0_i32_0 = arith.constant 0 : i32
    return %arg0, %c0_i32 : i32, i32
  }
  func.func @transform_2(%arg0: i32) -> (i32, i32) {
    %c0_i32 = arith.constant 0 : i32
    %c0_i32_0 = arith.constant 0 : i32
    return %arg0, %c0_i32 : i32, i32
  }
  func.func @transform_3(%arg0: i32) -> (i32, i32) {
    %c0_i32 = arith.constant 0 : i32
    %c0_i32_0 = arith.constant 0 : i32
    %c0_i32_1 = arith.constant 0 : i32
    return %c0_i32, %c0_i32_0 : i32, i32
  }
  func.func @transform_4(%arg0: i32) -> (i32, i32) {
    %c0_i32 = arith.constant 0 : i32
    %c0_i32_0 = arith.constant 0 : i32
    %c0_i32_1 = arith.constant 0 : i32
    return %c0_i32, %c0_i32_0 : i32, i32
  }
  func.func @transform_5(%arg0: i32) -> (i32, i32) {
    %c0_i32 = arith.constant 0 : i32
    %c0_i32_0 = arith.constant 0 : i32
    %c0_i32_1 = arith.constant 0 : i32
    return %c0_i32, %c0_i32_0 : i32, i32
  }
  func.func @transform_6(%arg0: i32) -> (i32, i32) {
    %c0_i32 = arith.constant 0 : i32
    %c0_i32_0 = arith.constant 0 : i32
    %c0_i32_1 = arith.constant 0 : i32
    return %c0_i32, %c0_i32_0 : i32, i32
  }
  func.func @transform_7(%arg0: i32) -> (i32, i32) {
    %c0_i32 = arith.constant 0 : i32
    %c0_i32_0 = arith.constant 0 : i32
    %c0_i32_1 = arith.constant 0 : i32
    return %c0_i32, %c0_i32_0 : i32, i32
  }
  func.func @transform_8(%arg0: i32) -> (i32, i32) {
    %c0_i32 = arith.constant 0 : i32
    %c0_i32_0 = arith.constant 0 : i32
    %c0_i32_1 = arith.constant 0 : i32
    return %c0_i32, %c0_i32_0 : i32, i32
  }
  func.func @transform_9(%arg0: i32) -> (i32, i32) {
    %c0_i32 = arith.constant 0 : i32
    %c0_i32_0 = arith.constant 0 : i32
    return %arg0, %c0_i32 : i32, i32
  }
  func.func @transform_10(%arg0: i32) -> (i32, i32) {
    %c0_i32 = arith.constant 0 : i32
    %c0_i32_0 = arith.constant 0 : i32
    return %arg0, %c0_i32 : i32, i32
  }
}

module attributes {stable_mosaic.version = 14 : i64} {
  func.func @_eattn_body(%arg0: i32, %arg1: i32, %arg2: memref<512x384xf32, #tpu.memory_space<vmem>>, %arg3: memref<1024x384xf32, #tpu.memory_space<vmem>>, %arg4: memref<1x1024xf32, #tpu.memory_space<vmem>>, %arg5: memref<1x1024xf32, #tpu.memory_space<vmem>>, %arg6: memref<512x1xf32, #tpu.memory_space<vmem>>, %arg7: memref<512x1xf32, #tpu.memory_space<vmem>>, %arg8: memref<512x128xf32, #tpu.memory_space<vmem>>, %arg9: memref<128x128xf32, #tpu.memory_space<vmem>>, %arg10: memref<1x128xf32, #tpu.memory_space<vmem>>, %arg11: memref<1x128xf32, #tpu.memory_space<vmem>>, %arg12: memref<1x128xf32, #tpu.memory_space<vmem>>, %arg13: memref<128x256xf32, #tpu.memory_space<vmem>>, %arg14: memref<1x256xf32, #tpu.memory_space<vmem>>, %arg15: memref<256x128xf32, #tpu.memory_space<vmem>>, %arg16: memref<1x128xf32, #tpu.memory_space<vmem>>, %arg17: memref<512x128xf32, #tpu.memory_space<vmem>>, %arg18: memref<512x8xf32, #tpu.memory_space<vmem>>, %arg19: memref<512x128xf32, #tpu.memory_space<vmem>>) attributes {dimension_semantics = [#tpu.dimension_semantics<arbitrary>, #tpu.dimension_semantics<arbitrary>], iteration_bounds = array<i64: 8, 4>, scalar_prefetch = 0 : i64, scratch_operands = 2 : i64, tpu.core_type = #tpu.core_type<tc>, window_params = [{transform_indices = @transform_0, window_bounds = array<i64: 512, 384>}, {transform_indices = @transform_1, window_bounds = array<i64: 1024, 384>}, {transform_indices = @transform_2, window_bounds = array<i64: 1, 1024>}, {transform_indices = @transform_3, window_bounds = array<i64: 1, 1024>}, {transform_indices = @transform_4, window_bounds = array<i64: 512, 1>}, {transform_indices = @transform_5, window_bounds = array<i64: 512, 1>}, {transform_indices = @transform_6, window_bounds = array<i64: 512, 128>}, {pipeline_mode = #tpu.pipeline_mode<synchronous>, transform_indices = @transform_7, window_bounds = array<i64: 128, 128>}, {pipeline_mode = #tpu.pipeline_mode<synchronous>, transform_indices = @transform_8, window_bounds = array<i64: 1, 128>}, {pipeline_mode = #tpu.pipeline_mode<synchronous>, transform_indices = @transform_9, window_bounds = array<i64: 1, 128>}, {pipeline_mode = #tpu.pipeline_mode<synchronous>, transform_indices = @transform_10, window_bounds = array<i64: 1, 128>}, {pipeline_mode = #tpu.pipeline_mode<synchronous>, transform_indices = @transform_11, window_bounds = array<i64: 128, 256>}, {pipeline_mode = #tpu.pipeline_mode<synchronous>, transform_indices = @transform_12, window_bounds = array<i64: 1, 256>}, {pipeline_mode = #tpu.pipeline_mode<synchronous>, transform_indices = @transform_13, window_bounds = array<i64: 256, 128>}, {pipeline_mode = #tpu.pipeline_mode<synchronous>, transform_indices = @transform_14, window_bounds = array<i64: 1, 128>}, {transform_indices = @transform_15, window_bounds = array<i64: 512, 128>}]} {
    %eq3A = arith.constant 0 : i32
    %eq3A_0 = arith.cmpi eq, %arg1, %eq3A : i32
    %convert_element_type3A = arith.extui %eq3A_0 : i1 to i32
    %cond3A = arith.constant 0 : i32
    %cond3A_1 = arith.cmpi ne, %convert_element_type3A, %cond3A : i32
    scf.if %cond3A_1 {
      %broadcast_in_dim3A_281 = arith.constant 0.000000e+00 : f32
      %broadcast_in_dim3A_282 = vector.broadcast %broadcast_in_dim3A_281 : f32 to vector<512x8xf32>
      %swap3A_283 = arith.constant 0 : index
      %swap3A_284 = arith.constant 0 : index
      %swap3A_285 = vector.load %arg18[%swap3A_283, %swap3A_284] : memref<512x8xf32, #tpu.memory_space<vmem>>, vector<512x8xf32>
      tpu.vector_store %arg18[%swap3A_283, %swap3A_284], %broadcast_in_dim3A_282 {strides = array<i32>} : memref<512x8xf32, #tpu.memory_space<vmem>>, vector<512x8xf32>,
      %broadcast_in_dim3A_286 = arith.constant 0.000000e+00 : f32
      %broadcast_in_dim3A_287 = vector.broadcast %broadcast_in_dim3A_286 : f32 to vector<512x128xf32>
      %swap3A_288 = arith.constant 0 : index
      %swap3A_289 = arith.constant 0 : index
      %swap3A_290 = vector.load %arg19[%swap3A_288, %swap3A_289] : memref<512x128xf32, #tpu.memory_space<vmem>>, vector<512x128xf32>
      tpu.vector_store %arg19[%swap3A_288, %swap3A_289], %broadcast_in_dim3A_287 {strides = array<i32>} : memref<512x128xf32, #tpu.memory_space<vmem>>, vector<512x128xf32>,
    } else {
    }
    %get3A = arith.constant 0 : index
    %get3A_2 = arith.constant 0 : index
    %get3A_3 = vector.load %arg2[%get3A, %get3A_2] : memref<512x384xf32, #tpu.memory_space<vmem>>, vector<512x384xf32>
    %slice3A = vector.extract_strided_slice %get3A_3 {offsets = [0, 0], sizes = [512, 128], strides = [1, 1]} : vector<512x384xf32> to vector<512x128xf32>
    %get3A_4 = arith.constant 0 : index
    %get3A_5 = arith.constant 0 : index
    %get3A_6 = vector.load %arg3[%get3A_4, %get3A_5] : memref<1024x384xf32, #tpu.memory_space<vmem>>, vector<1024x384xf32>
    %slice3A_7 = vector.extract_strided_slice %get3A_6 {offsets = [0, 128], sizes = [1024, 128], strides = [1, 1]} : vector<1024x384xf32> to vector<1024x128xf32>
    %get3A_8 = arith.constant 0 : index
    %get3A_9 = arith.constant 0 : index
    %get3A_10 = vector.load %arg3[%get3A_8, %get3A_9] : memref<1024x384xf32, #tpu.memory_space<vmem>>, vector<1024x384xf32>
    %slice3A_11 = vector.extract_strided_slice %get3A_10 {offsets = [0, 256], sizes = [1024, 128], strides = [1, 1]} : vector<1024x384xf32> to vector<1024x128xf32>
    %get3A_12 = arith.constant 0 : index
    %get3A_13 = arith.constant 0 : index
    %get3A_14 = vector.load %arg6[%get3A_12, %get3A_13] : memref<512x1xf32, #tpu.memory_space<vmem>>, vector<512x1xf32>
    %get3A_15 = arith.constant 0 : index
    %get3A_16 = arith.constant 0 : index
    %get3A_17 = vector.load %arg7[%get3A_15, %get3A_16] : memref<512x1xf32, #tpu.memory_space<vmem>>, vector<512x1xf32>
    %get3A_18 = arith.constant 0 : index
    %get3A_19 = arith.constant 0 : index
    %get3A_20 = vector.load %arg4[%get3A_18, %get3A_19] : memref<1x1024xf32, #tpu.memory_space<vmem>>, vector<1x1024xf32>
    %get3A_21 = arith.constant 0 : index
    %get3A_22 = arith.constant 0 : index
    %get3A_23 = vector.load %arg5[%get3A_21, %get3A_22] : memref<1x1024xf32, #tpu.memory_space<vmem>>, vector<1x1024xf32>
    %eq3A_24 = vector.broadcast %get3A_14 : vector<512x1xf32> to vector<512x1024xf32>
    %eq3A_25 = vector.broadcast %get3A_20 : vector<1x1024xf32> to vector<512x1024xf32>
    %eq3A_26 = arith.cmpf oeq, %eq3A_24, %eq3A_25 : vector<512x1024xf32>
    %eq3A_27 = vector.broadcast %get3A_14 : vector<512x1xf32> to vector<512x1024xf32>
    %eq3A_28 = vector.broadcast %get3A_23 : vector<1x1024xf32> to vector<512x1024xf32>
    %eq3A_29 = arith.cmpf oeq, %eq3A_27, %eq3A_28 : vector<512x1024xf32>
    %or3A = arith.ori %eq3A_26, %eq3A_29 : vector<512x1024xi1>
    %eq3A_30 = vector.broadcast %get3A_17 : vector<512x1xf32> to vector<512x1024xf32>
    %eq3A_31 = vector.broadcast %get3A_20 : vector<1x1024xf32> to vector<512x1024xf32>
    %eq3A_32 = arith.cmpf oeq, %eq3A_30, %eq3A_31 : vector<512x1024xf32>
    %or3A_33 = arith.ori %or3A, %eq3A_32 : vector<512x1024xi1>
    %eq3A_34 = vector.broadcast %get3A_17 : vector<512x1xf32> to vector<512x1024xf32>
    %eq3A_35 = vector.broadcast %get3A_23 : vector<1x1024xf32> to vector<512x1024xf32>
    %eq3A_36 = arith.cmpf oeq, %eq3A_34, %eq3A_35 : vector<512x1024xf32>
    %or3A_37 = arith.ori %or3A_33, %eq3A_36 : vector<512x1024xi1>
    %jit3A = arith.constant 0.000000e+00 : f32
    %jit3A_38 = arith.constant -1.000000e+30 : f32
    %broadcast_in_dim3A = vector.broadcast %jit3A : f32 to vector<512x1024xf32>
    %broadcast_in_dim3A_39 = vector.broadcast %jit3A_38 : f32 to vector<512x1024xf32>
    %select_n3A = arith.select %or3A_37, %broadcast_in_dim3A, %broadcast_in_dim3A_39 : vector<512x1024xi1>, vector<512x1024xf32>
    %iota3A = tpu.iota {dimensions = array<i32: 1>} : vector<1x128xi32>
    %jit3A_40 = arith.constant 16 : i32
    %div3A = vector.broadcast %jit3A_40 : i32 to vector<1x128xi32>
    %div3A_41 = arith.divsi %iota3A, %div3A : vector<1x128xi32>
    %sign3A = arith.constant 0 : i32
    %sign3A_42 = vector.broadcast %sign3A : i32 to vector<1x128xi32>
    %sign3A_43 = arith.cmpi sgt, %iota3A, %sign3A_42 : vector<1x128xi32>
    %sign3A_44 = arith.extui %sign3A_43 : vector<1x128xi1> to vector<1x128xi32>
    %sign3A_45 = arith.constant 0 : i32
    %sign3A_46 = vector.broadcast %sign3A_45 : i32 to vector<1x128xi32>
    %sign3A_47 = arith.cmpi slt, %iota3A, %sign3A_46 : vector<1x128xi32>
    %sign3A_48 = arith.extui %sign3A_47 : vector<1x128xi1> to vector<1x128xi32>
    %sign3A_49 = arith.subi %sign3A_44, %sign3A_48 : vector<1x128xi32>
    %sign3A_50 = arith.constant 0 : i32
    %sign3A_51 = arith.cmpi sgt, %jit3A_40, %sign3A_50 : i32
    %sign3A_52 = arith.extui %sign3A_51 : i1 to i32
    %sign3A_53 = arith.constant 0 : i32
    %sign3A_54 = arith.cmpi slt, %jit3A_40, %sign3A_53 : i32
    %sign3A_55 = arith.extui %sign3A_54 : i1 to i32
    %sign3A_56 = arith.subi %sign3A_52, %sign3A_55 : i32
    %ne3A = vector.broadcast %sign3A_56 : i32 to vector<1x128xi32>
    %ne3A_57 = arith.cmpi ne, %sign3A_49, %ne3A : vector<1x128xi32>
    %rem3A = vector.broadcast %jit3A_40 : i32 to vector<1x128xi32>
    %rem3A_58 = arith.remsi %iota3A, %rem3A : vector<1x128xi32>
    %ne3A_59 = arith.constant 0 : i32
    %ne3A_60 = vector.broadcast %ne3A_59 : i32 to vector<1x128xi32>
    %ne3A_61 = arith.cmpi ne, %rem3A_58, %ne3A_60 : vector<1x128xi32>
    %and3A = arith.andi %ne3A_57, %ne3A_61 : vector<1x128xi1>
    %sub3A = arith.constant 1 : i32
    %sub3A_62 = vector.broadcast %sub3A : i32 to vector<1x128xi32>
    %sub3A_63 = arith.subi %div3A_41, %sub3A_62 : vector<1x128xi32>
    %select_n3A_64 = arith.select %and3A, %sub3A_63, %div3A_41 : vector<1x128xi1>, vector<1x128xi32>
    %broadcast_in_dim3A_65 = arith.constant 0.000000e+00 : f32
    %broadcast_in_dim3A_66 = vector.broadcast %broadcast_in_dim3A_65 : f32 to vector<512x128xf32>
    %eq3A_67 = arith.constant 0 : i32
    %eq3A_68 = vector.broadcast %eq3A_67 : i32 to vector<1x128xi32>
    %eq3A_69 = arith.cmpi eq, %select_n3A_64, %eq3A_68 : vector<1x128xi32>
    %jit3A_70 = arith.constant 0.000000e+00 : f32
    %broadcast_in_dim3A_71 = vector.shape_cast %eq3A_69 : vector<1x128xi1> to vector<1x128xi1>
    %broadcast_in_dim3A_72 = vector.broadcast %broadcast_in_dim3A_71 : vector<1x128xi1> to vector<1024x128xi1>
    %broadcast_in_dim3A_73 = vector.broadcast %jit3A_70 : f32 to vector<1024x128xf32>
    %select_n3A_74 = arith.select %broadcast_in_dim3A_72, %slice3A_7, %broadcast_in_dim3A_73 : vector<1024x128xi1>, vector<1024x128xf32>
    %jit3A_75 = arith.constant 0.000000e+00 : f32
    %broadcast_in_dim3A_76 = vector.shape_cast %eq3A_69 : vector<1x128xi1> to vector<1x128xi1>
    %broadcast_in_dim3A_77 = vector.broadcast %broadcast_in_dim3A_76 : vector<1x128xi1> to vector<1024x128xi1>
    %broadcast_in_dim3A_78 = vector.broadcast %jit3A_75 : f32 to vector<1024x128xf32>
    %select_n3A_79 = arith.select %broadcast_in_dim3A_77, %slice3A_11, %broadcast_in_dim3A_78 : vector<1024x128xi1>, vector<1024x128xf32>
    %convert_element_type3A_80 = arith.truncf %select_n3A_79 : vector<1024x128xf32> to vector<1024x128xbf16>
    %dot_general3A = arith.constant dense<0.000000e+00> : vector<512x1024xf32>
    %dot_general3A_81 = tpu.matmul %slice3A, %select_n3A_74, %dot_general3A {dimension_numbers = #tpu.dot_dimension_numbers<[1], [1], [0], [0], [0, 0, 1, 0], [], []>, transpose_lhs_hint = false} : vector<512x128xf32>, vector<1024x128xf32>, vector<512x1024xf32> -> vector<512x1024xf32>
    %add3A = arith.addf %dot_general3A_81, %select_n3A : vector<512x1024xf32>
    %exp3A = math.exp %add3A : vector<512x1024xf32>
    %reduce_sum3A = arith.constant dense<0.000000e+00> : vector<512xf32>
    %reduce_sum3A_82 = vector.multi_reduction <add>, %exp3A, %reduce_sum3A [1] : vector<512x1024xf32> to vector<512xf32>
    %broadcast_in_dim3A_83 = vector.shape_cast %reduce_sum3A_82 : vector<512xf32> to vector<512x1xf32>
    %convert_element_type3A_84 = arith.truncf %exp3A : vector<512x1024xf32> to vector<512x1024xbf16>
    %dot_general3A_85 = arith.constant dense<0.000000e+00> : vector<512x128xf32>
    %dot_general3A_86 = tpu.matmul %convert_element_type3A_84, %convert_element_type3A_80, %dot_general3A_85 {dimension_numbers = #tpu.dot_dimension_numbers<[1], [0], [0], [1], [0, 0, 1, 1], [], []>, transpose_lhs_hint = false} : vector<512x1024xbf16>, vector<1024x128xbf16>, vector<512x128xf32> -> vector<512x128xf32>
    %add3A_87 = arith.addf %broadcast_in_dim3A_66, %dot_general3A_86 : vector<512x128xf32>
    %eq3A_88 = arith.constant 1 : i32
    %eq3A_89 = vector.broadcast %eq3A_88 : i32 to vector<1x128xi32>
    %eq3A_90 = arith.cmpi eq, %select_n3A_64, %eq3A_89 : vector<1x128xi32>
    %jit3A_91 = arith.constant 0.000000e+00 : f32
    %broadcast_in_dim3A_92 = vector.shape_cast %eq3A_90 : vector<1x128xi1> to vector<1x128xi1>
    %broadcast_in_dim3A_93 = vector.broadcast %broadcast_in_dim3A_92 : vector<1x128xi1> to vector<1024x128xi1>
    %broadcast_in_dim3A_94 = vector.broadcast %jit3A_91 : f32 to vector<1024x128xf32>
    %select_n3A_95 = arith.select %broadcast_in_dim3A_93, %slice3A_7, %broadcast_in_dim3A_94 : vector<1024x128xi1>, vector<1024x128xf32>
    %jit3A_96 = arith.constant 0.000000e+00 : f32
    %broadcast_in_dim3A_97 = vector.shape_cast %eq3A_90 : vector<1x128xi1> to vector<1x128xi1>
    %broadcast_in_dim3A_98 = vector.broadcast %broadcast_in_dim3A_97 : vector<1x128xi1> to vector<1024x128xi1>
    %broadcast_in_dim3A_99 = vector.broadcast %jit3A_96 : f32 to vector<1024x128xf32>
    %select_n3A_100 = arith.select %broadcast_in_dim3A_98, %slice3A_11, %broadcast_in_dim3A_99 : vector<1024x128xi1>, vector<1024x128xf32>
    %convert_element_type3A_101 = arith.truncf %select_n3A_100 : vector<1024x128xf32> to vector<1024x128xbf16>
    %dot_general3A_102 = arith.constant dense<0.000000e+00> : vector<512x1024xf32>
    %dot_general3A_103 = tpu.matmul %slice3A, %select_n3A_95, %dot_general3A_102 {dimension_numbers = #tpu.dot_dimension_numbers<[1], [1], [0], [0], [0, 0, 1, 0], [], []>, transpose_lhs_hint = false} : vector<512x128xf32>, vector<1024x128xf32>, vector<512x1024xf32> -> vector<512x1024xf32>
    %add3A_104 = arith.addf %dot_general3A_103, %select_n3A : vector<512x1024xf32>
    %exp3A_105 = math.exp %add3A_104 : vector<512x1024xf32>
    %reduce_sum3A_106 = arith.constant dense<0.000000e+00> : vector<512xf32>
    %reduce_sum3A_107 = vector.multi_reduction <add>, %exp3A_105, %reduce_sum3A_106 [1] : vector<512x1024xf32> to vector<512xf32>
    %broadcast_in_dim3A_108 = vector.shape_cast %reduce_sum3A_107 : vector<512xf32> to vector<512x1xf32>
    %convert_element_type3A_109 = arith.truncf %exp3A_105 : vector<512x1024xf32> to vector<512x1024xbf16>
    %dot_general3A_110 = arith.constant dense<0.000000e+00> : vector<512x128xf32>
    %dot_general3A_111 = tpu.matmul %convert_element_type3A_109, %convert_element_type3A_101, %dot_general3A_110 {dimension_numbers = #tpu.dot_dimension_numbers<[1], [0], [0], [1], [0, 0, 1, 1], [], []>, transpose_lhs_hint = false} : vector<512x1024xbf16>, vector<1024x128xbf16>, vector<512x128xf32> -> vector<512x128xf32>
    %add3A_112 = arith.addf %add3A_87, %dot_general3A_111 : vector<512x128xf32>
    %eq3A_113 = arith.constant 2 : i32
    %eq3A_114 = vector.broadcast %eq3A_113 : i32 to vector<1x128xi32>
    %eq3A_115 = arith.cmpi eq, %select_n3A_64, %eq3A_114 : vector<1x128xi32>
    %jit3A_116 = arith.constant 0.000000e+00 : f32
    %broadcast_in_dim3A_117 = vector.shape_cast %eq3A_115 : vector<1x128xi1> to vector<1x128xi1>
    %broadcast_in_dim3A_118 = vector.broadcast %broadcast_in_dim3A_117 : vector<1x128xi1> to vector<1024x128xi1>
    %broadcast_in_dim3A_119 = vector.broadcast %jit3A_116 : f32 to vector<1024x128xf32>
    %select_n3A_120 = arith.select %broadcast_in_dim3A_118, %slice3A_7, %broadcast_in_dim3A_119 : vector<1024x128xi1>, vector<1024x128xf32>
    %jit3A_121 = arith.constant 0.000000e+00 : f32
    %broadcast_in_dim3A_122 = vector.shape_cast %eq3A_115 : vector<1x128xi1> to vector<1x128xi1>
    %broadcast_in_dim3A_123 = vector.broadcast %broadcast_in_dim3A_122 : vector<1x128xi1> to vector<1024x128xi1>
    %broadcast_in_dim3A_124 = vector.broadcast %jit3A_121 : f32 to vector<1024x128xf32>
    %select_n3A_125 = arith.select %broadcast_in_dim3A_123, %slice3A_11, %broadcast_in_dim3A_124 : vector<1024x128xi1>, vector<1024x128xf32>
    %convert_element_type3A_126 = arith.truncf %select_n3A_125 : vector<1024x128xf32> to vector<1024x128xbf16>
    %dot_general3A_127 = arith.constant dense<0.000000e+00> : vector<512x1024xf32>
    %dot_general3A_128 = tpu.matmul %slice3A, %select_n3A_120, %dot_general3A_127 {dimension_numbers = #tpu.dot_dimension_numbers<[1], [1], [0], [0], [0, 0, 1, 0], [], []>, transpose_lhs_hint = false} : vector<512x128xf32>, vector<1024x128xf32>, vector<512x1024xf32> -> vector<512x1024xf32>
    %add3A_129 = arith.addf %dot_general3A_128, %select_n3A : vector<512x1024xf32>
    %exp3A_130 = math.exp %add3A_129 : vector<512x1024xf32>
    %reduce_sum3A_131 = arith.constant dense<0.000000e+00> : vector<512xf32>
    %reduce_sum3A_132 = vector.multi_reduction <add>, %exp3A_130, %reduce_sum3A_131 [1] : vector<512x1024xf32> to vector<512xf32>
    %broadcast_in_dim3A_133 = vector.shape_cast %reduce_sum3A_132 : vector<512xf32> to vector<512x1xf32>
    %convert_element_type3A_134 = arith.truncf %exp3A_130 : vector<512x1024xf32> to vector<512x1024xbf16>
    %dot_general3A_135 = arith.constant dense<0.000000e+00> : vector<512x128xf32>
    %dot_general3A_136 = tpu.matmul %convert_element_type3A_134, %convert_element_type3A_126, %dot_general3A_135 {dimension_numbers = #tpu.dot_dimension_numbers<[1], [0], [0], [1], [0, 0, 1, 1], [], []>, transpose_lhs_hint = false} : vector<512x1024xbf16>, vector<1024x128xbf16>, vector<512x128xf32> -> vector<512x128xf32>
    %add3A_137 = arith.addf %add3A_112, %dot_general3A_136 : vector<512x128xf32>
    %eq3A_138 = arith.constant 3 : i32
    %eq3A_139 = vector.broadcast %eq3A_138 : i32 to vector<1x128xi32>
    %eq3A_140 = arith.cmpi eq, %select_n3A_64, %eq3A_139 : vector<1x128xi32>
    %jit3A_141 = arith.constant 0.000000e+00 : f32
    %broadcast_in_dim3A_142 = vector.shape_cast %eq3A_140 : vector<1x128xi1> to vector<1x128xi1>
    %broadcast_in_dim3A_143 = vector.broadcast %broadcast_in_dim3A_142 : vector<1x128xi1> to vector<1024x128xi1>
    %broadcast_in_dim3A_144 = vector.broadcast %jit3A_141 : f32 to vector<1024x128xf32>
    %select_n3A_145 = arith.select %broadcast_in_dim3A_143, %slice3A_7, %broadcast_in_dim3A_144 : vector<1024x128xi1>, vector<1024x128xf32>
    %jit3A_146 = arith.constant 0.000000e+00 : f32
    %broadcast_in_dim3A_147 = vector.shape_cast %eq3A_140 : vector<1x128xi1> to vector<1x128xi1>
    %broadcast_in_dim3A_148 = vector.broadcast %broadcast_in_dim3A_147 : vector<1x128xi1> to vector<1024x128xi1>
    %broadcast_in_dim3A_149 = vector.broadcast %jit3A_146 : f32 to vector<1024x128xf32>
    %select_n3A_150 = arith.select %broadcast_in_dim3A_148, %slice3A_11, %broadcast_in_dim3A_149 : vector<1024x128xi1>, vector<1024x128xf32>
    %convert_element_type3A_151 = arith.truncf %select_n3A_150 : vector<1024x128xf32> to vector<1024x128xbf16>
    %dot_general3A_152 = arith.constant dense<0.000000e+00> : vector<512x1024xf32>
    %dot_general3A_153 = tpu.matmul %slice3A, %select_n3A_145, %dot_general3A_152 {dimension_numbers = #tpu.dot_dimension_numbers<[1], [1], [0], [0], [0, 0, 1, 0], [], []>, transpose_lhs_hint = false} : vector<512x128xf32>, vector<1024x128xf32>, vector<512x1024xf32> -> vector<512x1024xf32>
    %add3A_154 = arith.addf %dot_general3A_153, %select_n3A : vector<512x1024xf32>
    %exp3A_155 = math.exp %add3A_154 : vector<512x1024xf32>
    %reduce_sum3A_156 = arith.constant dense<0.000000e+00> : vector<512xf32>
    %reduce_sum3A_157 = vector.multi_reduction <add>, %exp3A_155, %reduce_sum3A_156 [1] : vector<512x1024xf32> to vector<512xf32>
    %broadcast_in_dim3A_158 = vector.shape_cast %reduce_sum3A_157 : vector<512xf32> to vector<512x1xf32>
    %convert_element_type3A_159 = arith.truncf %exp3A_155 : vector<512x1024xf32> to vector<512x1024xbf16>
    %dot_general3A_160 = arith.constant dense<0.000000e+00> : vector<512x128xf32>
    %dot_general3A_161 = tpu.matmul %convert_element_type3A_159, %convert_element_type3A_151, %dot_general3A_160 {dimension_numbers = #tpu.dot_dimension_numbers<[1], [0], [0], [1], [0, 0, 1, 1], [], []>, transpose_lhs_hint = false} : vector<512x1024xbf16>, vector<1024x128xbf16>, vector<512x128xf32> -> vector<512x128xf32>
    %add3A_162 = arith.addf %add3A_137, %dot_general3A_161 : vector<512x128xf32>
    %eq3A_163 = arith.constant 4 : i32
    %eq3A_164 = vector.broadcast %eq3A_163 : i32 to vector<1x128xi32>
    %eq3A_165 = arith.cmpi eq, %select_n3A_64, %eq3A_164 : vector<1x128xi32>
    %jit3A_166 = arith.constant 0.000000e+00 : f32
    %broadcast_in_dim3A_167 = vector.shape_cast %eq3A_165 : vector<1x128xi1> to vector<1x128xi1>
    %broadcast_in_dim3A_168 = vector.broadcast %broadcast_in_dim3A_167 : vector<1x128xi1> to vector<1024x128xi1>
    %broadcast_in_dim3A_169 = vector.broadcast %jit3A_166 : f32 to vector<1024x128xf32>
    %select_n3A_170 = arith.select %broadcast_in_dim3A_168, %slice3A_7, %broadcast_in_dim3A_169 : vector<1024x128xi1>, vector<1024x128xf32>
    %jit3A_171 = arith.constant 0.000000e+00 : f32
    %broadcast_in_dim3A_172 = vector.shape_cast %eq3A_165 : vector<1x128xi1> to vector<1x128xi1>
    %broadcast_in_dim3A_173 = vector.broadcast %broadcast_in_dim3A_172 : vector<1x128xi1> to vector<1024x128xi1>
    %broadcast_in_dim3A_174 = vector.broadcast %jit3A_171 : f32 to vector<1024x128xf32>
    %select_n3A_175 = arith.select %broadcast_in_dim3A_173, %slice3A_11, %broadcast_in_dim3A_174 : vector<1024x128xi1>, vector<1024x128xf32>
    %convert_element_type3A_176 = arith.truncf %select_n3A_175 : vector<1024x128xf32> to vector<1024x128xbf16>
    %dot_general3A_177 = arith.constant dense<0.000000e+00> : vector<512x1024xf32>
    %dot_general3A_178 = tpu.matmul %slice3A, %select_n3A_170, %dot_general3A_177 {dimension_numbers = #tpu.dot_dimension_numbers<[1], [1], [0], [0], [0, 0, 1, 0], [], []>, transpose_lhs_hint = false} : vector<512x128xf32>, vector<1024x128xf32>, vector<512x1024xf32> -> vector<512x1024xf32>
    %add3A_179 = arith.addf %dot_general3A_178, %select_n3A : vector<512x1024xf32>
    %exp3A_180 = math.exp %add3A_179 : vector<512x1024xf32>
    %reduce_sum3A_181 = arith.constant dense<0.000000e+00> : vector<512xf32>
    %reduce_sum3A_182 = vector.multi_reduction <add>, %exp3A_180, %reduce_sum3A_181 [1] : vector<512x1024xf32> to vector<512xf32>
    %broadcast_in_dim3A_183 = vector.shape_cast %reduce_sum3A_182 : vector<512xf32> to vector<512x1xf32>
    %convert_element_type3A_184 = arith.truncf %exp3A_180 : vector<512x1024xf32> to vector<512x1024xbf16>
    %dot_general3A_185 = arith.constant dense<0.000000e+00> : vector<512x128xf32>
    %dot_general3A_186 = tpu.matmul %convert_element_type3A_184, %convert_element_type3A_176, %dot_general3A_185 {dimension_numbers = #tpu.dot_dimension_numbers<[1], [0], [0], [1], [0, 0, 1, 1], [], []>, transpose_lhs_hint = false} : vector<512x1024xbf16>, vector<1024x128xbf16>, vector<512x128xf32> -> vector<512x128xf32>
    %add3A_187 = arith.addf %add3A_162, %dot_general3A_186 : vector<512x128xf32>
    %eq3A_188 = arith.constant 5 : i32
    %eq3A_189 = vector.broadcast %eq3A_188 : i32 to vector<1x128xi32>
    %eq3A_190 = arith.cmpi eq, %select_n3A_64, %eq3A_189 : vector<1x128xi32>
    %jit3A_191 = arith.constant 0.000000e+00 : f32
    %broadcast_in_dim3A_192 = vector.shape_cast %eq3A_190 : vector<1x128xi1> to vector<1x128xi1>
    %broadcast_in_dim3A_193 = vector.broadcast %broadcast_in_dim3A_192 : vector<1x128xi1> to vector<1024x128xi1>
    %broadcast_in_dim3A_194 = vector.broadcast %jit3A_191 : f32 to vector<1024x128xf32>
    %select_n3A_195 = arith.select %broadcast_in_dim3A_193, %slice3A_7, %broadcast_in_dim3A_194 : vector<1024x128xi1>, vector<1024x128xf32>
    %jit3A_196 = arith.constant 0.000000e+00 : f32
    %broadcast_in_dim3A_197 = vector.shape_cast %eq3A_190 : vector<1x128xi1> to vector<1x128xi1>
    %broadcast_in_dim3A_198 = vector.broadcast %broadcast_in_dim3A_197 : vector<1x128xi1> to vector<1024x128xi1>
    %broadcast_in_dim3A_199 = vector.broadcast %jit3A_196 : f32 to vector<1024x128xf32>
    %select_n3A_200 = arith.select %broadcast_in_dim3A_198, %slice3A_11, %broadcast_in_dim3A_199 : vector<1024x128xi1>, vector<1024x128xf32>
    %convert_element_type3A_201 = arith.truncf %select_n3A_200 : vector<1024x128xf32> to vector<1024x128xbf16>
    %dot_general3A_202 = arith.constant dense<0.000000e+00> : vector<512x1024xf32>
    %dot_general3A_203 = tpu.matmul %slice3A, %select_n3A_195, %dot_general3A_202 {dimension_numbers = #tpu.dot_dimension_numbers<[1], [1], [0], [0], [0, 0, 1, 0], [], []>, transpose_lhs_hint = false} : vector<512x128xf32>, vector<1024x128xf32>, vector<512x1024xf32> -> vector<512x1024xf32>
    %add3A_204 = arith.addf %dot_general3A_203, %select_n3A : vector<512x1024xf32>
    %exp3A_205 = math.exp %add3A_204 : vector<512x1024xf32>
    %reduce_sum3A_206 = arith.constant dense<0.000000e+00> : vector<512xf32>
    %reduce_sum3A_207 = vector.multi_reduction <add>, %exp3A_205, %reduce_sum3A_206 [1] : vector<512x1024xf32> to vector<512xf32>
    %broadcast_in_dim3A_208 = vector.shape_cast %reduce_sum3A_207 : vector<512xf32> to vector<512x1xf32>
    %convert_element_type3A_209 = arith.truncf %exp3A_205 : vector<512x1024xf32> to vector<512x1024xbf16>
    %dot_general3A_210 = arith.constant dense<0.000000e+00> : vector<512x128xf32>
    %dot_general3A_211 = tpu.matmul %convert_element_type3A_209, %convert_element_type3A_201, %dot_general3A_210 {dimension_numbers = #tpu.dot_dimension_numbers<[1], [0], [0], [1], [0, 0, 1, 1], [], []>, transpose_lhs_hint = false} : vector<512x1024xbf16>, vector<1024x128xbf16>, vector<512x128xf32> -> vector<512x128xf32>
    %add3A_212 = arith.addf %add3A_187, %dot_general3A_211 : vector<512x128xf32>
    %eq3A_213 = arith.constant 6 : i32
    %eq3A_214 = vector.broadcast %eq3A_213 : i32 to vector<1x128xi32>
    %eq3A_215 = arith.cmpi eq, %select_n3A_64, %eq3A_214 : vector<1x128xi32>
    %jit3A_216 = arith.constant 0.000000e+00 : f32
    %broadcast_in_dim3A_217 = vector.shape_cast %eq3A_215 : vector<1x128xi1> to vector<1x128xi1>
    %broadcast_in_dim3A_218 = vector.broadcast %broadcast_in_dim3A_217 : vector<1x128xi1> to vector<1024x128xi1>
    %broadcast_in_dim3A_219 = vector.broadcast %jit3A_216 : f32 to vector<1024x128xf32>
    %select_n3A_220 = arith.select %broadcast_in_dim3A_218, %slice3A_7, %broadcast_in_dim3A_219 : vector<1024x128xi1>, vector<1024x128xf32>
    %jit3A_221 = arith.constant 0.000000e+00 : f32
    %broadcast_in_dim3A_222 = vector.shape_cast %eq3A_215 : vector<1x128xi1> to vector<1x128xi1>
    %broadcast_in_dim3A_223 = vector.broadcast %broadcast_in_dim3A_222 : vector<1x128xi1> to vector<1024x128xi1>
    %broadcast_in_dim3A_224 = vector.broadcast %jit3A_221 : f32 to vector<1024x128xf32>
    %select_n3A_225 = arith.select %broadcast_in_dim3A_223, %slice3A_11, %broadcast_in_dim3A_224 : vector<1024x128xi1>, vector<1024x128xf32>
    %convert_element_type3A_226 = arith.truncf %select_n3A_225 : vector<1024x128xf32> to vector<1024x128xbf16>
    %dot_general3A_227 = arith.constant dense<0.000000e+00> : vector<512x1024xf32>
    %dot_general3A_228 = tpu.matmul %slice3A, %select_n3A_220, %dot_general3A_227 {dimension_numbers = #tpu.dot_dimension_numbers<[1], [1], [0], [0], [0, 0, 1, 0], [], []>, transpose_lhs_hint = false} : vector<512x128xf32>, vector<1024x128xf32>, vector<512x1024xf32> -> vector<512x1024xf32>
    %add3A_229 = arith.addf %dot_general3A_228, %select_n3A : vector<512x1024xf32>
    %exp3A_230 = math.exp %add3A_229 : vector<512x1024xf32>
    %reduce_sum3A_231 = arith.constant dense<0.000000e+00> : vector<512xf32>
    %reduce_sum3A_232 = vector.multi_reduction <add>, %exp3A_230, %reduce_sum3A_231 [1] : vector<512x1024xf32> to vector<512xf32>
    %broadcast_in_dim3A_233 = vector.shape_cast %reduce_sum3A_232 : vector<512xf32> to vector<512x1xf32>
    %convert_element_type3A_234 = arith.truncf %exp3A_230 : vector<512x1024xf32> to vector<512x1024xbf16>
    %dot_general3A_235 = arith.constant dense<0.000000e+00> : vector<512x128xf32>
    %dot_general3A_236 = tpu.matmul %convert_element_type3A_234, %convert_element_type3A_226, %dot_general3A_235 {dimension_numbers = #tpu.dot_dimension_numbers<[1], [0], [0], [1], [0, 0, 1, 1], [], []>, transpose_lhs_hint = false} : vector<512x1024xbf16>, vector<1024x128xbf16>, vector<512x128xf32> -> vector<512x128xf32>
    %add3A_237 = arith.addf %add3A_212, %dot_general3A_236 : vector<512x128xf32>
    %eq3A_238 = arith.constant 7 : i32
    %eq3A_239 = vector.broadcast %eq3A_238 : i32 to vector<1x128xi32>
    %eq3A_240 = arith.cmpi eq, %select_n3A_64, %eq3A_239 : vector<1x128xi32>
    %jit3A_241 = arith.constant 0.000000e+00 : f32
    %broadcast_in_dim3A_242 = vector.shape_cast %eq3A_240 : vector<1x128xi1> to vector<1x128xi1>
    %broadcast_in_dim3A_243 = vector.broadcast %broadcast_in_dim3A_242 : vector<1x128xi1> to vector<1024x128xi1>
    %broadcast_in_dim3A_244 = vector.broadcast %jit3A_241 : f32 to vector<1024x128xf32>
    %select_n3A_245 = arith.select %broadcast_in_dim3A_243, %slice3A_7, %broadcast_in_dim3A_244 : vector<1024x128xi1>, vector<1024x128xf32>
    %jit3A_246 = arith.constant 0.000000e+00 : f32
    %broadcast_in_dim3A_247 = vector.shape_cast %eq3A_240 : vector<1x128xi1> to vector<1x128xi1>
    %broadcast_in_dim3A_248 = vector.broadcast %broadcast_in_dim3A_247 : vector<1x128xi1> to vector<1024x128xi1>
    %broadcast_in_dim3A_249 = vector.broadcast %jit3A_246 : f32 to vector<1024x128xf32>
    %select_n3A_250 = arith.select %broadcast_in_dim3A_248, %slice3A_11, %broadcast_in_dim3A_249 : vector<1024x128xi1>, vector<1024x128xf32>
    %convert_element_type3A_251 = arith.truncf %select_n3A_250 : vector<1024x128xf32> to vector<1024x128xbf16>
    %dot_general3A_252 = arith.constant dense<0.000000e+00> : vector<512x1024xf32>
    %dot_general3A_253 = tpu.matmul %slice3A, %select_n3A_245, %dot_general3A_252 {dimension_numbers = #tpu.dot_dimension_numbers<[1], [1], [0], [0], [0, 0, 1, 0], [], []>, transpose_lhs_hint = false} : vector<512x128xf32>, vector<1024x128xf32>, vector<512x1024xf32> -> vector<512x1024xf32>
    %add3A_254 = arith.addf %dot_general3A_253, %select_n3A : vector<512x1024xf32>
    %exp3A_255 = math.exp %add3A_254 : vector<512x1024xf32>
    %reduce_sum3A_256 = arith.constant dense<0.000000e+00> : vector<512xf32>
    %reduce_sum3A_257 = vector.multi_reduction <add>, %exp3A_255, %reduce_sum3A_256 [1] : vector<512x1024xf32> to vector<512xf32>
    %broadcast_in_dim3A_258 = vector.shape_cast %reduce_sum3A_257 : vector<512xf32> to vector<512x1xf32>
    %convert_element_type3A_259 = arith.truncf %exp3A_255 : vector<512x1024xf32> to vector<512x1024xbf16>
    %dot_general3A_260 = arith.constant dense<0.000000e+00> : vector<512x128xf32>
    %dot_general3A_261 = tpu.matmul %convert_element_type3A_259, %convert_element_type3A_251, %dot_general3A_260 {dimension_numbers = #tpu.dot_dimension_numbers<[1], [0], [0], [1], [0, 0, 1, 1], [], []>, transpose_lhs_hint = false} : vector<512x1024xbf16>, vector<1024x128xbf16>, vector<512x128xf32> -> vector<512x128xf32>
    %add3A_262 = arith.addf %add3A_237, %dot_general3A_261 : vector<512x128xf32>
    %get3A_263 = arith.constant 0 : index
    %get3A_264 = arith.constant 0 : index
    %get3A_265 = vector.load %arg18[%get3A_263, %get3A_264] : memref<512x8xf32, #tpu.memory_space<vmem>>, vector<512x8xf32>
    %concatenate3A = tpu.concatenate %broadcast_in_dim3A_83, %broadcast_in_dim3A_108, %broadcast_in_dim3A_133, %broadcast_in_dim3A_158, %broadcast_in_dim3A_183, %broadcast_in_dim3A_208, %broadcast_in_dim3A_233, %broadcast_in_dim3A_258 in 1 : vector<512x1xf32>, vector<512x1xf32>, vector<512x1xf32>, vector<512x1xf32>, vector<512x1xf32>, vector<512x1xf32>, vector<512x1xf32>, vector<512x1xf32> -> vector<512x8xf32>
    %add3A_266 = arith.addf %get3A_265, %concatenate3A : vector<512x8xf32>
    %swap3A = arith.constant 0 : index
    %swap3A_267 = arith.constant 0 : index
    %swap3A_268 = vector.load %arg18[%swap3A, %swap3A_267] : memref<512x8xf32, #tpu.memory_space<vmem>>, vector<512x8xf32>
    tpu.vector_store %arg18[%swap3A, %swap3A_267], %add3A_266 {strides = array<i32>} : memref<512x8xf32, #tpu.memory_space<vmem>>, vector<512x8xf32>,
    %get3A_269 = arith.constant 0 : index
    %get3A_270 = arith.constant 0 : index
    %get3A_271 = vector.load %arg19[%get3A_269, %get3A_270] : memref<512x128xf32, #tpu.memory_space<vmem>>, vector<512x128xf32>
    %add3A_272 = arith.addf %get3A_271, %add3A_262 : vector<512x128xf32>
    %swap3A_273 = arith.constant 0 : index
    %swap3A_274 = arith.constant 0 : index
    %swap3A_275 = vector.load %arg19[%swap3A_273, %swap3A_274] : memref<512x128xf32, #tpu.memory_space<vmem>>, vector<512x128xf32>
    tpu.vector_store %arg19[%swap3A_273, %swap3A_274], %add3A_272 {strides = array<i32>} : memref<512x128xf32, #tpu.memory_space<vmem>>, vector<512x128xf32>,
    %eq3A_276 = arith.constant 3 : i32
    %eq3A_277 = arith.cmpi eq, %arg1, %eq3A_276 : i32
    %convert_element_type3A_278 = arith.extui %eq3A_277 : i1 to i32
    %cond3A_279 = arith.constant 0 : i32
    %cond3A_280 = arith.cmpi ne, %convert_element_type3A_278, %cond3A_279 : i32
    scf.if %cond3A_280 {
      %get3A_281 = arith.constant 0 : index
      %get3A_282 = arith.constant 0 : index
      %get3A_283 = vector.load %arg19[%get3A_281, %get3A_282] : memref<512x128xf32, #tpu.memory_space<vmem>>, vector<512x128xf32>
      %get3A_284 = arith.constant 0 : index
      %get3A_285 = arith.constant 0 : index
      %get3A_286 = vector.load %arg18[%get3A_284, %get3A_285] : memref<512x8xf32, #tpu.memory_space<vmem>>, vector<512x8xf32>
      %slice3A_287 = vector.extract_strided_slice %get3A_286 {offsets = [0, 0], sizes = [512, 1], strides = [1, 1]} : vector<512x8xf32> to vector<512x1xf32>
      %broadcast_in_dim3A_288 = vector.shape_cast %slice3A_287 : vector<512x1xf32> to vector<512x1xf32>
      %broadcast_in_dim3A_289 = vector.broadcast %broadcast_in_dim3A_288 : vector<512x1xf32> to vector<512x16xf32>
      %slice3A_290 = vector.extract_strided_slice %get3A_286 {offsets = [0, 1], sizes = [512, 1], strides = [1, 1]} : vector<512x8xf32> to vector<512x1xf32>
      %broadcast_in_dim3A_291 = vector.shape_cast %slice3A_290 : vector<512x1xf32> to vector<512x1xf32>
      %broadcast_in_dim3A_292 = vector.broadcast %broadcast_in_dim3A_291 : vector<512x1xf32> to vector<512x16xf32>
      %slice3A_293 = vector.extract_strided_slice %get3A_286 {offsets = [0, 2], sizes = [512, 1], strides = [1, 1]} : vector<512x8xf32> to vector<512x1xf32>
      %broadcast_in_dim3A_294 = vector.shape_cast %slice3A_293 : vector<512x1xf32> to vector<512x1xf32>
      %broadcast_in_dim3A_295 = vector.broadcast %broadcast_in_dim3A_294 : vector<512x1xf32> to vector<512x16xf32>
      %slice3A_296 = vector.extract_strided_slice %get3A_286 {offsets = [0, 3], sizes = [512, 1], strides = [1, 1]} : vector<512x8xf32> to vector<512x1xf32>
      %broadcast_in_dim3A_297 = vector.shape_cast %slice3A_296 : vector<512x1xf32> to vector<512x1xf32>
      %broadcast_in_dim3A_298 = vector.broadcast %broadcast_in_dim3A_297 : vector<512x1xf32> to vector<512x16xf32>
      %slice3A_299 = vector.extract_strided_slice %get3A_286 {offsets = [0, 4], sizes = [512, 1], strides = [1, 1]} : vector<512x8xf32> to vector<512x1xf32>
      %broadcast_in_dim3A_300 = vector.shape_cast %slice3A_299 : vector<512x1xf32> to vector<512x1xf32>
      %broadcast_in_dim3A_301 = vector.broadcast %broadcast_in_dim3A_300 : vector<512x1xf32> to vector<512x16xf32>
      %slice3A_302 = vector.extract_strided_slice %get3A_286 {offsets = [0, 5], sizes = [512, 1], strides = [1, 1]} : vector<512x8xf32> to vector<512x1xf32>
      %broadcast_in_dim3A_303 = vector.shape_cast %slice3A_302 : vector<512x1xf32> to vector<512x1xf32>
      %broadcast_in_dim3A_304 = vector.broadcast %broadcast_in_dim3A_303 : vector<512x1xf32> to vector<512x16xf32>
      %slice3A_305 = vector.extract_strided_slice %get3A_286 {offsets = [0, 6], sizes = [512, 1], strides = [1, 1]} : vector<512x8xf32> to vector<512x1xf32>
      %broadcast_in_dim3A_306 = vector.shape_cast %slice3A_305 : vector<512x1xf32> to vector<512x1xf32>
      %broadcast_in_dim3A_307 = vector.broadcast %broadcast_in_dim3A_306 : vector<512x1xf32> to vector<512x16xf32>
      %slice3A_308 = vector.extract_strided_slice %get3A_286 {offsets = [0, 7], sizes = [512, 1], strides = [1, 1]} : vector<512x8xf32> to vector<512x1xf32>
      %broadcast_in_dim3A_309 = vector.shape_cast %slice3A_308 : vector<512x1xf32> to vector<512x1xf32>
      %broadcast_in_dim3A_310 = vector.broadcast %broadcast_in_dim3A_309 : vector<512x1xf32> to vector<512x16xf32>
      %concatenate3A_311 = tpu.concatenate %broadcast_in_dim3A_289, %broadcast_in_dim3A_292, %broadcast_in_dim3A_295, %broadcast_in_dim3A_298, %broadcast_in_dim3A_301, %broadcast_in_dim3A_304, %broadcast_in_dim3A_307, %broadcast_in_dim3A_310 in 1 : vector<512x16xf32>, vector<512x16xf32>, vector<512x16xf32>, vector<512x16xf32>, vector<512x16xf32>, vector<512x16xf32>, vector<512x16xf32>, vector<512x16xf32> -> vector<512x128xf32>
      %add3A_312 = arith.constant 1.000000e-16 : f32
      %add3A_313 = vector.broadcast %add3A_312 : f32 to vector<512x128xf32>
      %add3A_314 = arith.addf %concatenate3A_311, %add3A_313 : vector<512x128xf32>
      %div3A_315 = arith.divf %get3A_283, %add3A_314 : vector<512x128xf32>
      %get3A_316 = arith.constant 0 : index
      %get3A_317 = arith.constant 0 : index
      %get3A_318 = vector.load %arg9[%get3A_316, %get3A_317] : memref<128x128xf32, #tpu.memory_space<vmem>>, vector<128x128xf32>
      %dot_general3A_319 = arith.constant dense<0.000000e+00> : vector<512x128xf32>
      %dot_general3A_320 = tpu.matmul %div3A_315, %get3A_318, %dot_general3A_319 {dimension_numbers = #tpu.dot_dimension_numbers<[1], [0], [0], [1], [0, 0, 1, 1], [], []>, transpose_lhs_hint = false} : vector<512x128xf32>, vector<128x128xf32>, vector<512x128xf32> -> vector<512x128xf32>
      %get3A_321 = arith.constant 0 : index
      %get3A_322 = arith.constant 0 : index
      %get3A_323 = vector.load %arg10[%get3A_321, %get3A_322] : memref<1x128xf32, #tpu.memory_space<vmem>>, vector<1x128xf32>
      %add3A_324 = vector.broadcast %get3A_323 : vector<1x128xf32> to vector<512x128xf32>
      %add3A_325 = arith.addf %dot_general3A_320, %add3A_324 : vector<512x128xf32>
      %get3A_326 = arith.constant 0 : index
      %get3A_327 = arith.constant 0 : index
      %get3A_328 = vector.load %arg8[%get3A_326, %get3A_327] : memref<512x128xf32, #tpu.memory_space<vmem>>, vector<512x128xf32>
      %add3A_329 = arith.addf %add3A_325, %get3A_328 : vector<512x128xf32>
      %get3A_330 = arith.constant 0 : index
      %get3A_331 = arith.constant 0 : index
      %get3A_332 = vector.load %arg11[%get3A_330, %get3A_331] : memref<1x128xf32, #tpu.memory_space<vmem>>, vector<1x128xf32>
      %get3A_333 = arith.constant 0 : index
      %get3A_334 = arith.constant 0 : index
      %get3A_335 = vector.load %arg12[%get3A_333, %get3A_334] : memref<1x128xf32, #tpu.memory_space<vmem>>, vector<1x128xf32>
      %reduce_sum3A_336 = arith.constant dense<0.000000e+00> : vector<512xf32>
      %reduce_sum3A_337 = vector.multi_reduction <add>, %add3A_329, %reduce_sum3A_336 [1] : vector<512x128xf32> to vector<512xf32>
      %broadcast_in_dim3A_338 = vector.shape_cast %reduce_sum3A_337 : vector<512xf32> to vector<512x1xf32>
      %div3A_339 = arith.constant 1.280000e+02 : f32
      %div3A_340 = vector.broadcast %div3A_339 : f32 to vector<512x1xf32>
      %div3A_341 = arith.divf %broadcast_in_dim3A_338, %div3A_340 : vector<512x1xf32>
      %sub3A_342 = vector.broadcast %div3A_341 : vector<512x1xf32> to vector<512x128xf32>
      %sub3A_343 = arith.subf %add3A_329, %sub3A_342 : vector<512x128xf32>
      %integer_pow3A = arith.mulf %sub3A_343, %sub3A_343 : vector<512x128xf32>
      %reduce_sum3A_344 = arith.constant dense<0.000000e+00> : vector<512xf32>
      %reduce_sum3A_345 = vector.multi_reduction <add>, %integer_pow3A, %reduce_sum3A_344 [1] : vector<512x128xf32> to vector<512xf32>
      %broadcast_in_dim3A_346 = vector.shape_cast %reduce_sum3A_345 : vector<512xf32> to vector<512x1xf32>
      %div3A_347 = arith.constant 1.280000e+02 : f32
      %div3A_348 = vector.broadcast %div3A_347 : f32 to vector<512x1xf32>
      %div3A_349 = arith.divf %broadcast_in_dim3A_346, %div3A_348 : vector<512x1xf32>
      %sub3A_350 = vector.broadcast %div3A_341 : vector<512x1xf32> to vector<512x128xf32>
      %sub3A_351 = arith.subf %add3A_329, %sub3A_350 : vector<512x128xf32>
      %add3A_352 = arith.constant 9.99999974E-6 : f32
      %add3A_353 = vector.broadcast %add3A_352 : f32 to vector<512x1xf32>
      %add3A_354 = arith.addf %div3A_349, %add3A_353 : vector<512x1xf32>
      %sqrt3A = math.sqrt %add3A_354 : vector<512x1xf32>
      %div3A_355 = vector.broadcast %sqrt3A : vector<512x1xf32> to vector<512x128xf32>
      %div3A_356 = arith.divf %sub3A_351, %div3A_355 : vector<512x128xf32>
      %mul3A = vector.broadcast %get3A_332 : vector<1x128xf32> to vector<512x128xf32>
      %mul3A_357 = arith.mulf %div3A_356, %mul3A : vector<512x128xf32>
      %add3A_358 = vector.broadcast %get3A_335 : vector<1x128xf32> to vector<512x128xf32>
      %add3A_359 = arith.addf %mul3A_357, %add3A_358 : vector<512x128xf32>
      %get3A_360 = arith.constant 0 : index
      %get3A_361 = arith.constant 0 : index
      %get3A_362 = vector.load %arg13[%get3A_360, %get3A_361] : memref<128x256xf32, #tpu.memory_space<vmem>>, vector<128x256xf32>
      %dot_general3A_363 = arith.constant dense<0.000000e+00> : vector<512x256xf32>
      %dot_general3A_364 = tpu.matmul %add3A_359, %get3A_362, %dot_general3A_363 {dimension_numbers = #tpu.dot_dimension_numbers<[1], [0], [0], [1], [0, 0, 1, 1], [], []>, transpose_lhs_hint = false} : vector<512x128xf32>, vector<128x256xf32>, vector<512x256xf32> -> vector<512x256xf32>
      %get3A_365 = arith.constant 0 : index
      %get3A_366 = arith.constant 0 : index
      %get3A_367 = vector.load %arg14[%get3A_365, %get3A_366] : memref<1x256xf32, #tpu.memory_space<vmem>>, vector<1x256xf32>
      %add3A_368 = vector.broadcast %get3A_367 : vector<1x256xf32> to vector<512x256xf32>
      %add3A_369 = arith.addf %dot_general3A_364, %add3A_368 : vector<512x256xf32>
      %max3A = arith.constant 0.000000e+00 : f32
      %max3A_370 = vector.broadcast %max3A : f32 to vector<512x256xf32>
      %max3A_371 = arith.maximumf %add3A_369, %max3A_370 : vector<512x256xf32>
      %get3A_372 = arith.constant 0 : index
      %get3A_373 = arith.constant 0 : index
      %get3A_374 = vector.load %arg15[%get3A_372, %get3A_373] : memref<256x128xf32, #tpu.memory_space<vmem>>, vector<256x128xf32>
      %dot_general3A_375 = arith.constant dense<0.000000e+00> : vector<512x128xf32>
      %dot_general3A_376 = tpu.matmul %max3A_371, %get3A_374, %dot_general3A_375 {dimension_numbers = #tpu.dot_dimension_numbers<[1], [0], [0], [1], [0, 0, 1, 1], [], []>, transpose_lhs_hint = false} : vector<512x256xf32>, vector<256x128xf32>, vector<512x128xf32> -> vector<512x128xf32>
      %get3A_377 = arith.constant 0 : index
      %get3A_378 = arith.constant 0 : index
      %get3A_379 = vector.load %arg16[%get3A_377, %get3A_378] : memref<1x128xf32, #tpu.memory_space<vmem>>, vector<1x128xf32>
      %add3A_380 = vector.broadcast %get3A_379 : vector<1x128xf32> to vector<512x128xf32>
      %add3A_381 = arith.addf %dot_general3A_376, %add3A_380 : vector<512x128xf32>
      %add3A_382 = arith.addf %add3A_381, %add3A_329 : vector<512x128xf32>
      %swap3A_383 = arith.constant 0 : index
      %swap3A_384 = arith.constant 0 : index
      %swap3A_385 = vector.load %arg17[%swap3A_383, %swap3A_384] : memref<512x128xf32, #tpu.memory_space<vmem>>, vector<512x128xf32>
      tpu.vector_store %arg17[%swap3A_383, %swap3A_384], %add3A_382 {strides = array<i32>} : memref<512x128xf32, #tpu.memory_space<vmem>>, vector<512x128xf32>,
    } else {
    }
    return
  }
  func.func @transform_0(%arg0: i32, %arg1: i32) -> (i32, i32) {
    %c0_i32 = arith.constant 0 : i32
    %c0_i32_0 = arith.constant 0 : i32
    return %arg0, %c0_i32 : i32, i32
  }
  func.func @transform_1(%arg0: i32, %arg1: i32) -> (i32, i32) {
    %c0_i32 = arith.constant 0 : i32
    %c0_i32_0 = arith.constant 0 : i32
    return %arg1, %c0_i32 : i32, i32
  }
  func.func @transform_2(%arg0: i32, %arg1: i32) -> (i32, i32) {
    %c0_i32 = arith.constant 0 : i32
    %c0_i32_0 = arith.constant 0 : i32
    return %c0_i32, %arg1 : i32, i32
  }
  func.func @transform_3(%arg0: i32, %arg1: i32) -> (i32, i32) {
    %c0_i32 = arith.constant 0 : i32
    %c0_i32_0 = arith.constant 0 : i32
    return %c0_i32, %arg1 : i32, i32
  }
  func.func @transform_4(%arg0: i32, %arg1: i32) -> (i32, i32) {
    %c0_i32 = arith.constant 0 : i32
    %c0_i32_0 = arith.constant 0 : i32
    return %arg0, %c0_i32 : i32, i32
  }
  func.func @transform_5(%arg0: i32, %arg1: i32) -> (i32, i32) {
    %c0_i32 = arith.constant 0 : i32
    %c0_i32_0 = arith.constant 0 : i32
    return %arg0, %c0_i32 : i32, i32
  }
  func.func @transform_6(%arg0: i32, %arg1: i32) -> (i32, i32) {
    %c0_i32 = arith.constant 0 : i32
    %c0_i32_0 = arith.constant 0 : i32
    return %arg0, %c0_i32 : i32, i32
  }
  func.func @transform_7(%arg0: i32, %arg1: i32) -> (i32, i32) {
    %c0_i32 = arith.constant 0 : i32
    %c0_i32_0 = arith.constant 0 : i32
    %c0_i32_1 = arith.constant 0 : i32
    return %c0_i32, %c0_i32_0 : i32, i32
  }
  func.func @transform_8(%arg0: i32, %arg1: i32) -> (i32, i32) {
    %c0_i32 = arith.constant 0 : i32
    %c0_i32_0 = arith.constant 0 : i32
    %c0_i32_1 = arith.constant 0 : i32
    return %c0_i32, %c0_i32_0 : i32, i32
  }
  func.func @transform_9(%arg0: i32, %arg1: i32) -> (i32, i32) {
    %c0_i32 = arith.constant 0 : i32
    %c0_i32_0 = arith.constant 0 : i32
    %c0_i32_1 = arith.constant 0 : i32
    return %c0_i32, %c0_i32_0 : i32, i32
  }
  func.func @transform_10(%arg0: i32, %arg1: i32) -> (i32, i32) {
    %c0_i32 = arith.constant 0 : i32
    %c0_i32_0 = arith.constant 0 : i32
    %c0_i32_1 = arith.constant 0 : i32
    return %c0_i32, %c0_i32_0 : i32, i32
  }
  func.func @transform_11(%arg0: i32, %arg1: i32) -> (i32, i32) {
    %c0_i32 = arith.constant 0 : i32
    %c0_i32_0 = arith.constant 0 : i32
    %c0_i32_1 = arith.constant 0 : i32
    return %c0_i32, %c0_i32_0 : i32, i32
  }
  func.func @transform_12(%arg0: i32, %arg1: i32) -> (i32, i32) {
    %c0_i32 = arith.constant 0 : i32
    %c0_i32_0 = arith.constant 0 : i32
    %c0_i32_1 = arith.constant 0 : i32
    return %c0_i32, %c0_i32_0 : i32, i32
  }
  func.func @transform_13(%arg0: i32, %arg1: i32) -> (i32, i32) {
    %c0_i32 = arith.constant 0 : i32
    %c0_i32_0 = arith.constant 0 : i32
    %c0_i32_1 = arith.constant 0 : i32
    return %c0_i32, %c0_i32_0 : i32, i32
  }
  func.func @transform_14(%arg0: i32, %arg1: i32) -> (i32, i32) {
    %c0_i32 = arith.constant 0 : i32
    %c0_i32_0 = arith.constant 0 : i32
    %c0_i32_1 = arith.constant 0 : i32
    return %c0_i32, %c0_i32_0 : i32, i32
  }
  func.func @transform_15(%arg0: i32, %arg1: i32) -> (i32, i32) {
    %c0_i32 = arith.constant 0 : i32
    %c0_i32_0 = arith.constant 0 : i32
    return %arg0, %c0_i32 : i32, i32
  }
}

module attributes {stable_mosaic.version = 14 : i64} {
  func.func @_eqkv_body(%arg0: i32, %arg1: memref<512x384xf32, #tpu.memory_space<vmem>>, %arg2: memref<512x128xf32, #tpu.memory_space<vmem>>, %arg3: memref<512x128xf32, #tpu.memory_space<vmem>>, %arg4: memref<1x128xf32, #tpu.memory_space<vmem>>, %arg5: memref<1x128xf32, #tpu.memory_space<vmem>>, %arg6: memref<128x384xf32, #tpu.memory_space<vmem>>, %arg7: memref<1x384xf32, #tpu.memory_space<vmem>>, %arg8: memref<512x384xf32, #tpu.memory_space<vmem>>) attributes {dimension_semantics = [#tpu.dimension_semantics<arbitrary>], iteration_bounds = array<i64: 8>, scalar_prefetch = 0 : i64, scratch_operands = 0 : i64, tpu.core_type = #tpu.core_type<tc>, window_params = [{transform_indices = @transform_0, window_bounds = array<i64: 512, 384>}, {transform_indices = @transform_1, window_bounds = array<i64: 512, 128>}, {transform_indices = @transform_2, window_bounds = array<i64: 512, 128>}, {pipeline_mode = #tpu.pipeline_mode<synchronous>, transform_indices = @transform_3, window_bounds = array<i64: 1, 128>}, {pipeline_mode = #tpu.pipeline_mode<synchronous>, transform_indices = @transform_4, window_bounds = array<i64: 1, 128>}, {pipeline_mode = #tpu.pipeline_mode<synchronous>, transform_indices = @transform_5, window_bounds = array<i64: 128, 384>}, {pipeline_mode = #tpu.pipeline_mode<synchronous>, transform_indices = @transform_6, window_bounds = array<i64: 1, 384>}, {transform_indices = @transform_7, window_bounds = array<i64: 512, 384>}]} {
    %get3A = arith.constant 0 : index
    %get3A_0 = arith.constant 0 : index
    %get3A_1 = vector.load %arg2[%get3A, %get3A_0] : memref<512x128xf32, #tpu.memory_space<vmem>>, vector<512x128xf32>
    %get3A_2 = arith.constant 0 : index
    %get3A_3 = arith.constant 0 : index
    %get3A_4 = vector.load %arg4[%get3A_2, %get3A_3] : memref<1x128xf32, #tpu.memory_space<vmem>>, vector<1x128xf32>
    %get3A_5 = arith.constant 0 : index
    %get3A_6 = arith.constant 0 : index
    %get3A_7 = vector.load %arg5[%get3A_5, %get3A_6] : memref<1x128xf32, #tpu.memory_space<vmem>>, vector<1x128xf32>
    %reduce_sum3A = arith.constant dense<0.000000e+00> : vector<512xf32>
    %reduce_sum3A_8 = vector.multi_reduction <add>, %get3A_1, %reduce_sum3A [1] : vector<512x128xf32> to vector<512xf32>
    %broadcast_in_dim3A = vector.shape_cast %reduce_sum3A_8 : vector<512xf32> to vector<512x1xf32>
    %div3A = arith.constant 1.280000e+02 : f32
    %div3A_9 = vector.broadcast %div3A : f32 to vector<512x1xf32>
    %div3A_10 = arith.divf %broadcast_in_dim3A, %div3A_9 : vector<512x1xf32>
    %sub3A = vector.broadcast %div3A_10 : vector<512x1xf32> to vector<512x128xf32>
    %sub3A_11 = arith.subf %get3A_1, %sub3A : vector<512x128xf32>
    %integer_pow3A = arith.mulf %sub3A_11, %sub3A_11 : vector<512x128xf32>
    %reduce_sum3A_12 = arith.constant dense<0.000000e+00> : vector<512xf32>
    %reduce_sum3A_13 = vector.multi_reduction <add>, %integer_pow3A, %reduce_sum3A_12 [1] : vector<512x128xf32> to vector<512xf32>
    %broadcast_in_dim3A_14 = vector.shape_cast %reduce_sum3A_13 : vector<512xf32> to vector<512x1xf32>
    %div3A_15 = arith.constant 1.280000e+02 : f32
    %div3A_16 = vector.broadcast %div3A_15 : f32 to vector<512x1xf32>
    %div3A_17 = arith.divf %broadcast_in_dim3A_14, %div3A_16 : vector<512x1xf32>
    %sub3A_18 = vector.broadcast %div3A_10 : vector<512x1xf32> to vector<512x128xf32>
    %sub3A_19 = arith.subf %get3A_1, %sub3A_18 : vector<512x128xf32>
    %add3A = arith.constant 9.99999974E-6 : f32
    %add3A_20 = vector.broadcast %add3A : f32 to vector<512x1xf32>
    %add3A_21 = arith.addf %div3A_17, %add3A_20 : vector<512x1xf32>
    %sqrt3A = math.sqrt %add3A_21 : vector<512x1xf32>
    %div3A_22 = vector.broadcast %sqrt3A : vector<512x1xf32> to vector<512x128xf32>
    %div3A_23 = arith.divf %sub3A_19, %div3A_22 : vector<512x128xf32>
    %mul3A = vector.broadcast %get3A_4 : vector<1x128xf32> to vector<512x128xf32>
    %mul3A_24 = arith.mulf %div3A_23, %mul3A : vector<512x128xf32>
    %add3A_25 = vector.broadcast %get3A_7 : vector<1x128xf32> to vector<512x128xf32>
    %add3A_26 = arith.addf %mul3A_24, %add3A_25 : vector<512x128xf32>
    %get3A_27 = arith.constant 0 : index
    %get3A_28 = arith.constant 0 : index
    %get3A_29 = vector.load %arg3[%get3A_27, %get3A_28] : memref<512x128xf32, #tpu.memory_space<vmem>>, vector<512x128xf32>
    %get3A_30 = arith.constant 0 : index
    %get3A_31 = arith.constant 0 : index
    %get3A_32 = vector.load %arg4[%get3A_30, %get3A_31] : memref<1x128xf32, #tpu.memory_space<vmem>>, vector<1x128xf32>
    %get3A_33 = arith.constant 0 : index
    %get3A_34 = arith.constant 0 : index
    %get3A_35 = vector.load %arg5[%get3A_33, %get3A_34] : memref<1x128xf32, #tpu.memory_space<vmem>>, vector<1x128xf32>
    %reduce_sum3A_36 = arith.constant dense<0.000000e+00> : vector<512xf32>
    %reduce_sum3A_37 = vector.multi_reduction <add>, %get3A_29, %reduce_sum3A_36 [1] : vector<512x128xf32> to vector<512xf32>
    %broadcast_in_dim3A_38 = vector.shape_cast %reduce_sum3A_37 : vector<512xf32> to vector<512x1xf32>
    %div3A_39 = arith.constant 1.280000e+02 : f32
    %div3A_40 = vector.broadcast %div3A_39 : f32 to vector<512x1xf32>
    %div3A_41 = arith.divf %broadcast_in_dim3A_38, %div3A_40 : vector<512x1xf32>
    %sub3A_42 = vector.broadcast %div3A_41 : vector<512x1xf32> to vector<512x128xf32>
    %sub3A_43 = arith.subf %get3A_29, %sub3A_42 : vector<512x128xf32>
    %integer_pow3A_44 = arith.mulf %sub3A_43, %sub3A_43 : vector<512x128xf32>
    %reduce_sum3A_45 = arith.constant dense<0.000000e+00> : vector<512xf32>
    %reduce_sum3A_46 = vector.multi_reduction <add>, %integer_pow3A_44, %reduce_sum3A_45 [1] : vector<512x128xf32> to vector<512xf32>
    %broadcast_in_dim3A_47 = vector.shape_cast %reduce_sum3A_46 : vector<512xf32> to vector<512x1xf32>
    %div3A_48 = arith.constant 1.280000e+02 : f32
    %div3A_49 = vector.broadcast %div3A_48 : f32 to vector<512x1xf32>
    %div3A_50 = arith.divf %broadcast_in_dim3A_47, %div3A_49 : vector<512x1xf32>
    %sub3A_51 = vector.broadcast %div3A_41 : vector<512x1xf32> to vector<512x128xf32>
    %sub3A_52 = arith.subf %get3A_29, %sub3A_51 : vector<512x128xf32>
    %add3A_53 = arith.constant 9.99999974E-6 : f32
    %add3A_54 = vector.broadcast %add3A_53 : f32 to vector<512x1xf32>
    %add3A_55 = arith.addf %div3A_50, %add3A_54 : vector<512x1xf32>
    %sqrt3A_56 = math.sqrt %add3A_55 : vector<512x1xf32>
    %div3A_57 = vector.broadcast %sqrt3A_56 : vector<512x1xf32> to vector<512x128xf32>
    %div3A_58 = arith.divf %sub3A_52, %div3A_57 : vector<512x128xf32>
    %mul3A_59 = vector.broadcast %get3A_32 : vector<1x128xf32> to vector<512x128xf32>
    %mul3A_60 = arith.mulf %div3A_58, %mul3A_59 : vector<512x128xf32>
    %add3A_61 = vector.broadcast %get3A_35 : vector<1x128xf32> to vector<512x128xf32>
    %add3A_62 = arith.addf %mul3A_60, %add3A_61 : vector<512x128xf32>
    %get3A_63 = arith.constant 0 : index
    %get3A_64 = arith.constant 0 : index
    %get3A_65 = vector.load %arg1[%get3A_63, %get3A_64] : memref<512x384xf32, #tpu.memory_space<vmem>>, vector<512x384xf32>
    %add3A_66 = arith.addf %add3A_26, %add3A_62 : vector<512x128xf32>
    %get3A_67 = arith.constant 0 : index
    %get3A_68 = arith.constant 0 : index
    %get3A_69 = vector.load %arg6[%get3A_67, %get3A_68] : memref<128x384xf32, #tpu.memory_space<vmem>>, vector<128x384xf32>
    %dot_general3A = arith.constant dense<0.000000e+00> : vector<512x384xf32>
    %dot_general3A_70 = tpu.matmul %add3A_66, %get3A_69, %dot_general3A {dimension_numbers = #tpu.dot_dimension_numbers<[1], [0], [0], [1], [0, 0, 1, 1], [], []>, transpose_lhs_hint = false} : vector<512x128xf32>, vector<128x384xf32>, vector<512x384xf32> -> vector<512x384xf32>
    %add3A_71 = arith.addf %get3A_65, %dot_general3A_70 : vector<512x384xf32>
    %get3A_72 = arith.constant 0 : index
    %get3A_73 = arith.constant 0 : index
    %get3A_74 = vector.load %arg7[%get3A_72, %get3A_73] : memref<1x384xf32, #tpu.memory_space<vmem>>, vector<1x384xf32>
    %mul3A_75 = arith.constant 2.000000e+00 : f32
    %mul3A_76 = vector.broadcast %mul3A_75 : f32 to vector<1x384xf32>
    %mul3A_77 = arith.mulf %mul3A_76, %get3A_74 : vector<1x384xf32>
    %add3A_78 = vector.broadcast %mul3A_77 : vector<1x384xf32> to vector<512x384xf32>
    %add3A_79 = arith.addf %add3A_71, %add3A_78 : vector<512x384xf32>
    %swap3A = arith.constant 0 : index
    %swap3A_80 = arith.constant 0 : index
    %swap3A_81 = vector.load %arg8[%swap3A, %swap3A_80] : memref<512x384xf32, #tpu.memory_space<vmem>>, vector<512x384xf32>
    tpu.vector_store %arg8[%swap3A, %swap3A_80], %add3A_79 {strides = array<i32>} : memref<512x384xf32, #tpu.memory_space<vmem>>, vector<512x384xf32>,
    return
  }
  func.func @transform_0(%arg0: i32) -> (i32, i32) {
    %c0_i32 = arith.constant 0 : i32
    %c0_i32_0 = arith.constant 0 : i32
    return %arg0, %c0_i32 : i32, i32
  }
  func.func @transform_1(%arg0: i32) -> (i32, i32) {
    %c0_i32 = arith.constant 0 : i32
    %c0_i32_0 = arith.constant 0 : i32
    return %arg0, %c0_i32 : i32, i32
  }
  func.func @transform_2(%arg0: i32) -> (i32, i32) {
    %c0_i32 = arith.constant 0 : i32
    %c0_i32_0 = arith.constant 0 : i32
    return %arg0, %c0_i32 : i32, i32
  }
  func.func @transform_3(%arg0: i32) -> (i32, i32) {
    %c0_i32 = arith.constant 0 : i32
    %c0_i32_0 = arith.constant 0 : i32
    %c0_i32_1 = arith.constant 0 : i32
    return %c0_i32, %c0_i32_0 : i32, i32
  }
  func.func @transform_4(%arg0: i32) -> (i32, i32) {
    %c0_i32 = arith.constant 0 : i32
    %c0_i32_0 = arith.constant 0 : i32
    %c0_i32_1 = arith.constant 0 : i32
    return %c0_i32, %c0_i32_0 : i32, i32
  }
  func.func @transform_5(%arg0: i32) -> (i32, i32) {
    %c0_i32 = arith.constant 0 : i32
    %c0_i32_0 = arith.constant 0 : i32
    %c0_i32_1 = arith.constant 0 : i32
    return %c0_i32, %c0_i32_0 : i32, i32
  }
  func.func @transform_6(%arg0: i32) -> (i32, i32) {
    %c0_i32 = arith.constant 0 : i32
    %c0_i32_0 = arith.constant 0 : i32
    %c0_i32_1 = arith.constant 0 : i32
    return %c0_i32, %c0_i32_0 : i32, i32
  }
  func.func @transform_7(%arg0: i32) -> (i32, i32) {
    %c0_i32 = arith.constant 0 : i32
    %c0_i32_0 = arith.constant 0 : i32
    return %arg0, %c0_i32 : i32, i32
  }
}

</mosaic_0001>

<sc_bundles>
// kernel: kernel.10.cloned.1.call-start
scs
__scs_entry_jumppad:
0x0: {  	(pc) =	sbr.rel $0x88, $3  }
0x1: {  	(tag) =	ssettag $0x0;
	lr =	simm.s32 $0x1  }
0x2: {  	[smem:$0x3F6E] =	sst lr;
	_ =	strace $0xD0000000  }
0x3: {  	_ = 	snop  }
0x4: {  	_ = 	snop  }
0x5: {  	_ = 	snop  }
0x6: {  	_ = 	snop  }
0x7: {  	_ = 	snop  }
__scs_overlays_trampoline_lowered:
0x8: {  	[smem:$0x3F7D] =	sst s0  }
0x9: {  	[smem:$0x3F7E] =	sst s1  }
0xa: {  	[smem:$0x3F7F] =	sst s2  }
0xb: {  	[smem:$0x3F80] =	sst s3  }
0xc: {  	[smem:$0x3F81] =	sst s4  }
0xd: {  	[smem:$0x3F82] =	sst s5  }
0xe: {  	[smem:$0x3F83] =	sst s6  }
0xf: {  	[smem:$0x3F84] =	sst s7  }
0x10: {  	[smem:$0x3F85] =	sst s8  }
0x11: {  	[smem:$0x3F86] =	sst s9;
	s0 =	simm.s32 @!p0 $0x0  }
0x12: {  	s1 =	sld [smem:$0x3F6C];
	s0 =	simm.s32 @p0 $0x1  }
0x13: {  	[smem:$0x3F87] =	sst s0;
	s0 =	simm.s32 @!p1 $0x0  }
0x14: {  	s2 =	sld [smem:$0x3F6B];
	s0 =	simm.s32 @p1 $0x1  }
0x15: {  	[smem:$0x3F88] =	sst s0;
	s0 =	simm.s32 @!p2 $0x0  }
0x16: {  	s3 =	sld [smem:$0x3FDB];
	s0 =	simm.s32 @p2 $0x1  }
0x17: {  	s4 =	simm.s32 $0x1BF5;
	[smem:$0x3F8A] =	sst s0  }
0x18: {  	s0 =	sld [smem:$0x3F6D];
	_ =	swait.ge [sflag:s4], $0x0  }
0x19: {  	s7 =	sld [smem:$0x3F6E]  }
0x1a: {  	s8 =	sadd.s32 $0xFFFFE003, lr  }
0x1b: {  	s9 =	sadd.s32 $0xFFFFFEF7, lr;
	s5 =	simm.s32 $0xFFFFFFFF;
	p2 =	slt.u32 s8, $0xFFFFF086  }
0x1c: {  	p1 =	slt.u32 s9, $0xF7A;
	s5 =	simm.s32 @!p2 $0x0  }
0x1d: {  	s5 =	simm.s32 @p1 $0x1;
	p0 =	seq.s32 s7, s2  }
0x1e: {  	s7 =	smul.u32 @!p0 $0xF7A, s2;
	p2 =	seq.s32 @!p0 s5, $0x0  }
0x1f: {  	s9 =	smul.u32 $0xF7A, s1;
	s8 =	simm.s32 @!p0 $0x1BF5;
	p2 =	por !p2, p0  }
0x20: {  	[sflag:s8] =	ssyncset.s32 @!p0 $0xFFFFF086;
	s6 =	sadd.s32 @!p0 s3, s7;
	s7 =	simm.s32 @!p0 $0x108  }
0x21: {  	s3 =	sadd.s32 s3, s9;
	s6 =	sadd.s32 @!p0 $0x88, s6;
	s7 =	simm.s32 @p2 $0x1082  }
0x22: {  	[simem:s7], [sflag:s8] =	dma.local @!p0 [hbm:s6], $0xF7A  }
0x23: {  	s9 =	sor.u32 $0xD0000000, s2;
	s6 =	simm.s32 $0x108;
	_ =	swait.ge @!p0 [sflag:s8], $0x0  }
0x24: {  	s3 =	sadd.s32 $0x88, s3;
	s6 =	simm.s32 @!p1 $0x1082;
	[sflag:s4] =	ssyncset.s32 $0xFFFFF086  }
0x25: {  	[simem:s6], [sflag:s4] =	dma.local [hbm:s3], $0xF7A  }
0x26: {  	[smem:$0x3F6E] =	sst s1;
	(tag) =	ssettag s2;
	_ =	strace s9  }
0x27: {  	s1 =	sld [smem:$0x3F7E]  }
0x28: {  	s2 =	sld [smem:$0x3F7F]  }
0x29: {  	s4 =	sld [smem:$0x3F81]  }
0x2a: {  	p0 =	seq.s32 s5, $0x0;
	s5 =	sld [smem:$0x3F82]  }
0x2b: {  	s6 =	sld [smem:$0x3F83]  }
0x2c: {  	s7 =	sld [smem:$0x3F84]  }
0x2d: {  	s3 =	simm.s32 $0x108;
	s8 =	sld [smem:$0x3F85]  }
0x2e: {  	s3 =	simm.s32 @!p0 $0x1082;
	s9 =	sld [smem:$0x3F86]  }
0x2f: {  	lr =	sadd.s32 s0, s3;
	s0 =	sld [smem:$0x3F7D]  }
0x30: {  	s3 =	sld [smem:$0x3F80]  }
0x31: {  	[smem:$0x3F89] =	sst s10  }
0x32: {  	s10 =	sld [smem:$0x3F87];
	_ =	sdelay $0x3  }
0x33: {  	p0 =	seq.s32 s10, $0x1;
	s10 =	sld [smem:$0x3F89];
	_ =	sdelay $0x3  }
0x34: {  	[smem:$0x3F89] =	sst s10  }
0x35: {  	s10 =	sld [smem:$0x3F88];
	_ =	sdelay $0x3  }
0x36: {  	p1 =	seq.s32 s10, $0x1;
	s10 =	sld [smem:$0x3F89];
	_ =	sdelay $0x3  }
0x37: {  	[smem:$0x3F89] =	sst s10  }
0x38: {  	s10 =	sld [smem:$0x3F8A]  }
0x39: {  	_ = 	snop;
	(pc) =	sbr.ind lr, $3  }
0x3a: {  	_ = 	snop  }
0x3b: {  	_ = 	snop  }
0x3c: {  	p2 =	seq.s32 s10, $0x1;
	s10 =	sld [smem:$0x3F89]  }
0x3d: {  	_ =	shalt  }
0x3e: {  	_ =	shalt  }
0x3f: {  	_ =	shalt  }
0x40: {  	_ =	shalt  }
0x41: {  	_ =	shalt  }
0x42: {  	_ =	shalt  }
0x43: {  	_ =	shalt  }
0x44: {  	_ =	shalt  }
0x45: {  	_ =	shalt  }
0x46: {  	_ =	shalt  }
0x47: {  	_ =	shalt  }
0x48: {  	_ =	shalt  }
0x49: {  	_ =	shalt  }
0x4a: {  	_ =	shalt  }
0x4b: {  	_ =	shalt  }
0x4c: {  	_ =	shalt  }
0x4d: {  	_ =	shalt  }
0x4e: {  	_ =	shalt  }
0x4f: {  	_ =	shalt  }
0x50: {  	_ =	shalt  }
0x51: {  	_ =	shalt  }
0x52: {  	_ =	shalt  }
0x53: {  	_ =	shalt  }
0x54: {  	_ =	shalt  }
0x55: {  	_ =	shalt  }
0x56: {  	_ =	shalt  }
0x57: {  	_ =	shalt  }
0x58: {  	_ =	shalt  }
0x59: {  	_ =	shalt  }
0x5a: {  	_ =	shalt  }
0x5b: {  	_ =	shalt  }
0x5c: {  	_ =	shalt  }
0x5d: {  	_ =	shalt  }
0x5e: {  	_ =	shalt  }
0x5f: {  	_ =	shalt  }
0x60: {  	_ =	shalt  }
0x61: {  	_ =	shalt  }
0x62: {  	_ =	shalt  }
0x63: {  	_ =	shalt  }
0x64: {  	_ =	shalt  }
0x65: {  	_ =	shalt  }
0x66: {  	_ =	shalt  }
0x67: {  	_ =	shalt  }
0x68: {  	_ =	shalt  }
0x69: {  	_ =	shalt  }
0x6a: {  	_ =	shalt  }
0x6b: {  	_ =	shalt  }
0x6c: {  	_ =	shalt  }
0x6d: {  	_ =	shalt  }
0x6e: {  	_ =	shalt  }
0x6f: {  	_ =	shalt  }
0x70: {  	_ =	shalt  }
0x71: {  	_ =	shalt  }
0x72: {  	_ =	shalt  }
0x73: {  	_ =	shalt  }
0x74: {  	_ =	shalt  }
0x75: {  	_ =	shalt  }
0x76: {  	_ =	shalt  }
0x77: {  	_ =	shalt  }
0x78: {  	_ =	shalt  }
0x79: {  	_ =	shalt  }
0x7a: {  	_ =	shalt  }
0x7b: {  	_ =	shalt  }
0x7c: {  	_ =	shalt  }
0x7d: {  	_ =	shalt  }
0x7e: {  	_ =	shalt  }
0x7f: {  	_ =	shalt  }
0x80: {  	_ =	shalt  }
0x81: {  	_ =	shalt  }
0x82: {  	_ =	shalt  }
0x83: {  	_ =	shalt  }
0x84: {  	_ =	shalt  }
0x85: {  	_ =	shalt  }
0x86: {  	_ =	shalt  }
0x87: {  	_ =	shalt  }
.Lfunc_end0:
.L_simem_size_0:
called_computation_lowered:
.L_overlay_start_0:
0x88: {  	s2 =	sld [smem:$0x3FD9]  }
0x89: {  	s3 =	sld [smem:$0x3FFE];
	_ =	sdelay $0x1  }
0x8a: {  	s1 =	srdreg.scid  }
0x8b: {  	s0 =	sand.u32 $0x1, s1  }
0x8c: {  	s14 =	sshll.u32 s0, $0xA;
	s2 =	sadd.s32 s3, s2  }
0x8d: {  	s2 =	sadd.s32 s2, s14  }
0x8e: {  	[smem:$0x3F95] =	sst s2  }
0x8f: {  	_ = 	snop  }
0x90: {  	s2 =	sld [smem:$0x3FD0];
	_ =	sdelay $0x2  }
0x91: {  	s4 =	simm.s32 $0xA;
	s5 =	simm.s32 $0x10;
	s15 =	sld [smem:$0x3FC9]  }
0x92: {  	[smem:s5], [sflag:s4] =	dma.local [hbm:s2], $0x1  }
0x93: {  	_ =	swait.eq [sflag:s4], $0x1  }
0x94: {  	[sflag:s4] =	ssyncset.done $0x0  }
0x95: {  	[sflag:s4] =	ssyncadd.s32 $0xFFFFFFFF  }
0x96: {  	s16 =	sld [smem:$0x11];
	(tm) =	ssettm $0x1  }
0x97: {  	s17 =	sld [smem:$0x3FFB];
	_ =	sdelay $0x3  }
0x98: {  	_ =	strace s17  }
0x99: {  	s4 =	sld [smem:$0x3FFC];
	_ =	sdelay $0x3  }
0x9a: {  	_ =	strace s4  }
0x9b: {  	s4 =	sld [smem:$0x3FFD];
	_ =	sdelay $0x3  }
0x9c: {  	_ =	strace s4  }
0x9d: {  	_ =	strace $0x8FFFFFFF  }
0x9e: {  	s18 =	sld [smem:$0x3FDB];
	_ =	sdelay $0x1  }
0x9f: {  	s19 =	simm.s32 $_scs_section_size  }
0xa0: {  	s6 =	simm.s32 $_size__tile_overlayer_lowered;
	s7 =	simm.s32 $_tile_overlayer_lowered  }
0xa1: {  	s22 =	simm.s32 $0x1BFF;
	s21 =	sshll.u32 s7, $0x1;
	s4 =	sadd.s32 s19, s18  }
0xa2: {  	s8 =	simm.s32 $0x0;
	s20 =	sshll.u32 s6, $0x1;
	s6 =	sadd.s32 s21, s4  }
0xa3: {  	[timem:s8], [sflag:s22] =	dma.local [hbm:s6], s20  }
0xa4: {  	_ =	swait.ge [sflag:s22], s20  }
0xa5: {  	s5 =	ssub.s32 $0x0, s20;
	[sflag:s22] =	ssyncset.done $0x0  }
0xa6: {  	[sflag:s22] =	ssyncadd.s32 s5;
	_ =	sdelay $0x1  }
0xa7: {  	s23 =	simm.s32 $0x1B8B  }
0xa8: {  	_ =	swait.ge [sflag:s23], $0x1  }
0xa9: {  	[sflag:s23] =	ssyncset.done $0x0  }
0xaa: {  	s25 =	simm.s32 $0x1B8E;
	s24 =	sld [smem:$0x3FFE];
	[sflag:s23] =	ssyncadd.s32 $0xFFFFFFFF  }
0xab: {  	s26 =	simm.s32 $execute0_lowered;
	[smem:$0x3FD2] =	sst s25  }
0xac: {  	s6 =	sshll.u32 s26, $0x1;
	_ =	strace $0x80000046;
	[dreg:$0x1] =	wrdreg $0xFFFFFFFF  }
0xad: {  	s28 =	simm.s32 $_size_execute0_lowered;
	s4 =	sadd.s32 s4, s6;
	[dreg:$0x0] =	wrdreg $0x0  }
0xae: {  	s6 =	sshll.u32 s28, $0x1;
	[dreg:$0x2] =	wrdreg s4  }
0xaf: {  	[dreg:$0x3] =	wrdreg s6  }
0xb0: {  	[dreg:$0x4] =	wrdreg $0xC0  }
0xb1: {  	_ =	task [dreg:s8], $0x5FFFF  }
0xb2: {  	[dreg:$0x1] =	wrdreg $0xFFFFFFFF  }
0xb3: {  	[dreg:$0x0] =	wrdreg $0x60  }
0xb4: {  	[dreg:$0x2] =	wrdreg s15  }
0xb5: {  	[dreg:$0x3] =	wrdreg s16  }
0xb6: {  	[dreg:$0x4] =	wrdreg s24  }
0xb7: {  	[dreg:$0x5] =	wrdreg $0x9  }
0xb8: {  	_ =	task.clear_ibuf [dreg:s8], $0x6FFFF;
	_ =	strace $0x90000046  }
0xb9: {  	s29 =	simm.s32 $0x9;
	_ =	strace $0x80000048  }
0xba: {  	_ =	swait.ge [sflag:s29], $0x1  }
0xbb: {  	[sflag:s29] =	ssyncadd.s32 $0xFFFFFFFF  }
0xbc: {  	_ =	strace $0x90000048  }
0xbd: {  	_ =	sfence  }
0xbe: {  	s30 =	sld [smem:$0x0];
	_ =	sdelay $0x2  }
0xbf: {  	s31 =	sshll.u32 s1, $0xD;
	s1 =	sshrl.u32 s1, $0x2  }
0xc0: {  	s3 =	sand.u32 $0x4000, s31;
	s1 =	sadd.s32 s1, s30  }
0xc1: {  	s0 =	sor.u32 s3, s0;
	s1 =	sshll.u32 s1, $0x11  }
0xc2: {  	s0 =	sor.u32 s1, s0  }
0xc3: {  	s0 =	sadd.s32 $0x8F2B, s0  }
0xc4: {  	[sflag:s0] =	ssyncadd.remote.s32 $0x1  }
0xc5: {  	_ =	sfence.sel $0xFFFF  }
0xc6: {  	[dreg:$0x0] =	wrdreg $0xFFFFFFFF;
	(pc) =	sbr.abs _section_cstart, $3  }
0xc7: {  	[dreg:$0x1] =	wrdreg $0xFFFFFFFF  }
0xc8: {  	_ =	task.clear_ibuf [dreg:s8], $0x2FFFF;
	_ =	strace $0x9FFFFFFF  }
0xc9: {  	(tm) =	ssettm $0x7FFFFFFF  }
tec
execute0_lowered:
.L_overlay_start_1:
0x0: {  	(tag) =	ssettag $0x1  }
0x1: {  	s1 =	rddreg [dreg:$0x0];
	s2 =	srdreg.scid  }
0x2: {  	s4 =	rddreg [dreg:$0x1];
	s0 =	stileid.u32;
	s10 =	sand.u32 $0x1, s2  }
0x3: {  	s11 =	rddreg [dreg:$0x2];
	s5 =	sshll.u32 s0, $0x9;
	s6 =	sshll.u32 s10, $0x8  }
0x4: {  	s3 =	simm.s32 $0x0;
	s2 =	rddreg [dreg:$0x3];
	s12 =	sor.u32 s6, s5  }
0x5: {  	[smem:$0x7FF] =	sst s3;
	s5 =	sshrl.u32 s12, $0x3  }
0x6: {  	_ =	strace $0x80000047;
	s5 =	sadd.s32 s4, s5;
	s4 =	simm.s32 $0x2  }
0x7: {  	[tilespmem:s3], [sflag:$0x2] =	stream.linear.gather [hbm4b:s5+s3], $0x80, $0x38;
	[tilespmem:$0x8100] =	vst v63  }
0x8: {  	_ =	swait.ge [sflag:s4], $0x80  }
0x9: {  	s7 =	simm.s32 $0x100;
	[sflag:s4] =	ssyncset.done $0x0  }
0xa: {  	s8 =	simm.s32 $0x1;
	s6 =	simm.s32 $0x80;
	[sflag:s4] =	ssyncadd.s32 $0xFFFFFF80  }
0xb: {  	[tilespmem:s7], [sflag:$0x1] =	stream.indirect.gather [hbm4b:s1+s6], $0x80, s3, s6, $0xb8;
	[tilespmem:$0x8100] =	vst v63  }
0xc: {  	_ =	swait.ge [sflag:s8], $0x4000  }
0xd: {  	[sflag:s8] =	ssyncset.done $0x0  }
0xe: {  	s13 =	ssub.s32 $0x2, s10;
	s9 =	sadd.s32 $0x10, s5;
	[sflag:s8] =	ssyncadd.s32 $0xFFFFC000  }
0xf: {  	[tilespmem:s6], [sflag:$0x2] =	stream.linear.gather [hbm4b:s9+s3], $0x80, $0x38;
	[tilespmem:$0x8100] =	vst v63  }
0x10: {  	s10 =	simm.s32 $0x4100;
	s14 =	sshrl.u32 s13, $0x1;
	_ =	swait.ge [sflag:s4], $0x80  }
0x11: {  	s12 =	sshll.u32 s12, $0x4;
	s31 =	ssub.s32 s13, s14;
	[sflag:s4] =	ssyncset.done $0x0  }
0x12: {  	s11 =	sadd.s32 s12, s11;
	s12 =	smax.u32 s31, $0x1;
	[sflag:s4] =	ssyncadd.s32 $0xFFFFFF80  }
0x13: {  	[tilespmem:s10], [sflag:$0x1] =	stream.indirect.gather [hbm4b:s1+s6], $0x80, s6, s6, $0xb8;
	[tilespmem:$0x8100] =	vst v63  }
0x14: {  	p0 =	sne.s32 s12, $0x1;
	_ =	swait.ge [sflag:s8], $0x4000  }
.Ltmp0:
0x15: {  	[sflag:s8] =	ssyncset.done $0x0;
	(pc) =	sbr.rel @!p0 .LBB2_2-.Ltmp0, $4  }
0x16: {  	s11 =	sadd.s32 $0x7400, s11;
	[sflag:s8] =	ssyncadd.s32 $0xFFFFC000  }
0x17: {  	[hbm4b:s11+s3] =	stream.linear.scatter [tilespmem:s7], [sflag:$0x2], $0x8000, $0x38;
	[tilespmem:$0x8100] =	vst v63  }
0x18: {  	_ =	swait.ge [sflag:s4], $0x8000  }
0x19: {  	s12 =	sadd.s32 $0xFFFFFFFF, s12;
	[sflag:s4] =	ssyncset.done $0x0  }
.LBB2_1:
0x1a: {  	p0 =	sne.s32 s12, $0x1;
	s12 =	sadd.s32 $0xFFFFFFFF, s12;
	[sflag:s4] =	ssyncadd.s32 $0xFFFF8000  }
0x1b: {  	[tilespmem:s3], [sflag:$0x2] =	stream.linear.gather [hbm4b:s5+s3], $0x80, $0x38;
	[tilespmem:$0x8100] =	vst v63  }
0x1c: {  	_ =	swait.ge [sflag:s4], $0x80  }
0x1d: {  	[sflag:s4] =	ssyncset.done $0x0  }
0x1e: {  	[sflag:s4] =	ssyncadd.s32 $0xFFFFFF80  }
0x1f: {  	[tilespmem:s7], [sflag:$0x1] =	stream.indirect.gather [hbm4b:s1+s6], $0x80, s3, s6, $0xb8;
	[tilespmem:$0x8100] =	vst v63  }
0x20: {  	_ =	swait.ge [sflag:s8], $0x4000  }
0x21: {  	[sflag:s8] =	ssyncset.done $0x0  }
0x22: {  	[sflag:s8] =	ssyncadd.s32 $0xFFFFC000  }
0x23: {  	[tilespmem:s6], [sflag:$0x2] =	stream.linear.gather [hbm4b:s9+s3], $0x80, $0x38;
	[tilespmem:$0x8100] =	vst v63  }
0x24: {  	_ =	swait.ge [sflag:s4], $0x80  }
0x25: {  	[sflag:s4] =	ssyncset.done $0x0  }
0x26: {  	[sflag:s4] =	ssyncadd.s32 $0xFFFFFF80  }
0x27: {  	[tilespmem:s10], [sflag:$0x1] =	stream.indirect.gather [hbm4b:s1+s6], $0x80, s6, s6, $0xb8;
	[tilespmem:$0x8100] =	vst v63  }
0x28: {  	_ =	swait.ge [sflag:s8], $0x4000  }
.Ltmp1:
0x29: {  	[sflag:s8] =	ssyncset.done $0x0;
	(pc) =	sbr.rel @p0 .LBB2_1-.Ltmp1, $4  }
0x2a: {  	[sflag:s8] =	ssyncadd.s32 $0xFFFFC000  }
0x2b: {  	[hbm4b:s11+s3] =	stream.linear.scatter [tilespmem:s7], [sflag:$0x2], $0x8000, $0x38;
	[tilespmem:$0x8100] =	vst v63  }
0x2c: {  	_ =	swait.ge [sflag:s4], $0x8000  }
0x2d: {  	[sflag:s4] =	ssyncset.done $0x0  }
.LBB2_2:
0x2e: {  	[sflag:s4] =	ssyncadd.s32 $0xFFFF8000  }
0x2f: {  	_ =	sfence.sel $0x180000  }
0x30: {  	[bflag:$0x0] =	sbarrier.arrive $0xFFFF  }
0x31: {  	p0 =	sne.s32 s0, $0x0;
	_ =	strace $0x90000047  }
0x32: {  	s0 =	sadd.s32 @!p0 $0x100000, s2;
	[bflag:$0x2] =	sbarrier.arrive $0xFFFF  }
0x33: {  	[sflag:s0] =	ssyncadd.tile.s32 @!p0 $0x1;
	_ =	shalt  }
.Lfunc_end2:
_tile_overlayer_lowered:
.L_overlay_start_2:
0x34: {  	(tag) =	ssettag $0x2  }
0x35: {  	s0 =	rddreg [dreg:$0x0];
	s2 =	stileid.u32  }
0x36: {  	s1 =	rddreg [dreg:$0x1];
	p0 =	sne.s32 s2, $0x0  }
0x37: {  	s3 =	rddreg [dreg:$0x2];
	[bflag:$0x3] =	sbarrier.arrive $0xFFFF;
	s2 =	simm.s32 @!p0 $0x1C02  }
0x38: {  	[timem:s3], [sflag:s2] =	dma.local @!p0 [hbm:s0], s1  }
0x39: {  	s0 =	simm.s32 @!p0 $0x2  }
0x3a: {  	_ =	swait.ge @!p0 [sflag:s0], s1  }
0x3b: {  	s1 =	ssub.s32 @!p0 $0x0, s1;
	[sflag:s0] =	ssyncset.done @!p0 $0x0  }
0x3c: {  	[sflag:s0] =	ssyncadd.s32 @!p0 s1  }
0x3d: {  	[bflag:$0x3] =	sbarrier.arrive $0xFFFF  }
0x3e: {  	_ =	shalt  }

// kernel: kernel.13.cloned.1.call-start
scs
__scs_entry_jumppad:
0x0: {  	(pc) =	sbr.rel $0x88, $3  }
0x1: {  	(tag) =	ssettag $0x0;
	lr =	simm.s32 $0x1  }
0x2: {  	[smem:$0x3F6E] =	sst lr;
	_ =	strace $0xD0000000  }
0x3: {  	_ = 	snop  }
0x4: {  	_ = 	snop  }
0x5: {  	_ = 	snop  }
0x6: {  	_ = 	snop  }
0x7: {  	_ = 	snop  }
__scs_overlays_trampoline_lowered:
0x8: {  	[smem:$0x3F7D] =	sst s0  }
0x9: {  	[smem:$0x3F7E] =	sst s1  }
0xa: {  	[smem:$0x3F7F] =	sst s2  }
0xb: {  	[smem:$0x3F80] =	sst s3  }
0xc: {  	[smem:$0x3F81] =	sst s4  }
0xd: {  	[smem:$0x3F82] =	sst s5  }
0xe: {  	[smem:$0x3F83] =	sst s6  }
0xf: {  	[smem:$0x3F84] =	sst s7  }
0x10: {  	[smem:$0x3F85] =	sst s8  }
0x11: {  	[smem:$0x3F86] =	sst s9;
	s0 =	simm.s32 @!p0 $0x0  }
0x12: {  	s1 =	sld [smem:$0x3F6C];
	s0 =	simm.s32 @p0 $0x1  }
0x13: {  	[smem:$0x3F87] =	sst s0;
	s0 =	simm.s32 @!p1 $0x0  }
0x14: {  	s2 =	sld [smem:$0x3F6B];
	s0 =	simm.s32 @p1 $0x1  }
0x15: {  	[smem:$0x3F88] =	sst s0;
	s0 =	simm.s32 @!p2 $0x0  }
0x16: {  	s3 =	sld [smem:$0x3FDB];
	s0 =	simm.s32 @p2 $0x1  }
0x17: {  	s4 =	simm.s32 $0x1BF5;
	[smem:$0x3F8A] =	sst s0  }
0x18: {  	s0 =	sld [smem:$0x3F6D];
	_ =	swait.ge [sflag:s4], $0x0  }
0x19: {  	s7 =	sld [smem:$0x3F6E]  }
0x1a: {  	s8 =	sadd.s32 $0xFFFFE003, lr  }
0x1b: {  	s9 =	sadd.s32 $0xFFFFFEF7, lr;
	s5 =	simm.s32 $0xFFFFFFFF;
	p2 =	slt.u32 s8, $0xFFFFF086  }
0x1c: {  	p1 =	slt.u32 s9, $0xF7A;
	s5 =	simm.s32 @!p2 $0x0  }
0x1d: {  	s5 =	simm.s32 @p1 $0x1;
	p0 =	seq.s32 s7, s2  }
0x1e: {  	s7 =	smul.u32 @!p0 $0xF7A, s2;
	p2 =	seq.s32 @!p0 s5, $0x0  }
0x1f: {  	s9 =	smul.u32 $0xF7A, s1;
	s8 =	simm.s32 @!p0 $0x1BF5;
	p2 =	por !p2, p0  }
0x20: {  	[sflag:s8] =	ssyncset.s32 @!p0 $0xFFFFF086;
	s6 =	sadd.s32 @!p0 s3, s7;
	s7 =	simm.s32 @!p0 $0x108  }
0x21: {  	s3 =	sadd.s32 s3, s9;
	s6 =	sadd.s32 @!p0 $0x88, s6;
	s7 =	simm.s32 @p2 $0x1082  }
0x22: {  	[simem:s7], [sflag:s8] =	dma.local @!p0 [hbm:s6], $0xF7A  }
0x23: {  	s9 =	sor.u32 $0xD0000000, s2;
	s6 =	simm.s32 $0x108;
	_ =	swait.ge @!p0 [sflag:s8], $0x0  }
0x24: {  	s3 =	sadd.s32 $0x88, s3;
	s6 =	simm.s32 @!p1 $0x1082;
	[sflag:s4] =	ssyncset.s32 $0xFFFFF086  }
0x25: {  	[simem:s6], [sflag:s4] =	dma.local [hbm:s3], $0xF7A  }
0x26: {  	[smem:$0x3F6E] =	sst s1;
	(tag) =	ssettag s2;
	_ =	strace s9  }
0x27: {  	s1 =	sld [smem:$0x3F7E]  }
0x28: {  	s2 =	sld [smem:$0x3F7F]  }
0x29: {  	s4 =	sld [smem:$0x3F81]  }
0x2a: {  	p0 =	seq.s32 s5, $0x0;
	s5 =	sld [smem:$0x3F82]  }
0x2b: {  	s6 =	sld [smem:$0x3F83]  }
0x2c: {  	s7 =	sld [smem:$0x3F84]  }
0x2d: {  	s3 =	simm.s32 $0x108;
	s8 =	sld [smem:$0x3F85]  }
0x2e: {  	s3 =	simm.s32 @!p0 $0x1082;
	s9 =	sld [smem:$0x3F86]  }
0x2f: {  	lr =	sadd.s32 s0, s3;
	s0 =	sld [smem:$0x3F7D]  }
0x30: {  	s3 =	sld [smem:$0x3F80]  }
0x31: {  	[smem:$0x3F89] =	sst s10  }
0x32: {  	s10 =	sld [smem:$0x3F87];
	_ =	sdelay $0x3  }
0x33: {  	p0 =	seq.s32 s10, $0x1;
	s10 =	sld [smem:$0x3F89];
	_ =	sdelay $0x3  }
0x34: {  	[smem:$0x3F89] =	sst s10  }
0x35: {  	s10 =	sld [smem:$0x3F88];
	_ =	sdelay $0x3  }
0x36: {  	p1 =	seq.s32 s10, $0x1;
	s10 =	sld [smem:$0x3F89];
	_ =	sdelay $0x3  }
0x37: {  	[smem:$0x3F89] =	sst s10  }
0x38: {  	s10 =	sld [smem:$0x3F8A]  }
0x39: {  	_ = 	snop;
	(pc) =	sbr.ind lr, $3  }
0x3a: {  	_ = 	snop  }
0x3b: {  	_ = 	snop  }
0x3c: {  	p2 =	seq.s32 s10, $0x1;
	s10 =	sld [smem:$0x3F89]  }
0x3d: {  	_ =	shalt  }
0x3e: {  	_ =	shalt  }
0x3f: {  	_ =	shalt  }
0x40: {  	_ =	shalt  }
0x41: {  	_ =	shalt  }
0x42: {  	_ =	shalt  }
0x43: {  	_ =	shalt  }
0x44: {  	_ =	shalt  }
0x45: {  	_ =	shalt  }
0x46: {  	_ =	shalt  }
0x47: {  	_ =	shalt  }
0x48: {  	_ =	shalt  }
0x49: {  	_ =	shalt  }
0x4a: {  	_ =	shalt  }
0x4b: {  	_ =	shalt  }
0x4c: {  	_ =	shalt  }
0x4d: {  	_ =	shalt  }
0x4e: {  	_ =	shalt  }
0x4f: {  	_ =	shalt  }
0x50: {  	_ =	shalt  }
0x51: {  	_ =	shalt  }
0x52: {  	_ =	shalt  }
0x53: {  	_ =	shalt  }
0x54: {  	_ =	shalt  }
0x55: {  	_ =	shalt  }
0x56: {  	_ =	shalt  }
0x57: {  	_ =	shalt  }
0x58: {  	_ =	shalt  }
0x59: {  	_ =	shalt  }
0x5a: {  	_ =	shalt  }
0x5b: {  	_ =	shalt  }
0x5c: {  	_ =	shalt  }
0x5d: {  	_ =	shalt  }
0x5e: {  	_ =	shalt  }
0x5f: {  	_ =	shalt  }
0x60: {  	_ =	shalt  }
0x61: {  	_ =	shalt  }
0x62: {  	_ =	shalt  }
0x63: {  	_ =	shalt  }
0x64: {  	_ =	shalt  }
0x65: {  	_ =	shalt  }
0x66: {  	_ =	shalt  }
0x67: {  	_ =	shalt  }
0x68: {  	_ =	shalt  }
0x69: {  	_ =	shalt  }
0x6a: {  	_ =	shalt  }
0x6b: {  	_ =	shalt  }
0x6c: {  	_ =	shalt  }
0x6d: {  	_ =	shalt  }
0x6e: {  	_ =	shalt  }
0x6f: {  	_ =	shalt  }
0x70: {  	_ =	shalt  }
0x71: {  	_ =	shalt  }
0x72: {  	_ =	shalt  }
0x73: {  	_ =	shalt  }
0x74: {  	_ =	shalt  }
0x75: {  	_ =	shalt  }
0x76: {  	_ =	shalt  }
0x77: {  	_ =	shalt  }
0x78: {  	_ =	shalt  }
0x79: {  	_ =	shalt  }
0x7a: {  	_ =	shalt  }
0x7b: {  	_ =	shalt  }
0x7c: {  	_ =	shalt  }
0x7d: {  	_ =	shalt  }
0x7e: {  	_ =	shalt  }
0x7f: {  	_ =	shalt  }
0x80: {  	_ =	shalt  }
0x81: {  	_ =	shalt  }
0x82: {  	_ =	shalt  }
0x83: {  	_ =	shalt  }
0x84: {  	_ =	shalt  }
0x85: {  	_ =	shalt  }
0x86: {  	_ =	shalt  }
0x87: {  	_ =	shalt  }
.Lfunc_end0:
.L_simem_size_0:
called_computation.1_lowered:
.L_overlay_start_0:
0x88: {  	s2 =	sld [smem:$0x3FD9]  }
0x89: {  	s3 =	sld [smem:$0x3FFE];
	_ =	sdelay $0x1  }
0x8a: {  	s1 =	srdreg.scid  }
0x8b: {  	s0 =	sand.u32 $0x1, s1  }
0x8c: {  	s14 =	sshll.u32 s0, $0xA;
	s2 =	sadd.s32 s3, s2  }
0x8d: {  	s2 =	sadd.s32 s2, s14  }
0x8e: {  	[smem:$0x3F95] =	sst s2  }
0x8f: {  	_ = 	snop  }
0x90: {  	s2 =	sld [smem:$0x3FD0];
	_ =	sdelay $0x2  }
0x91: {  	s15 =	simm.s32 $0xA;
	s4 =	simm.s32 $0x10  }
0x92: {  	[smem:s4], [sflag:s15] =	dma.local [hbm:s2], $0x1  }
0x93: {  	_ =	swait.eq [sflag:s15], $0x1  }
0x94: {  	[sflag:s15] =	ssyncset.done $0x0  }
0x95: {  	s16 =	sld [smem:$0x10];
	[sflag:s15] =	ssyncadd.s32 $0xFFFFFFFF  }
0x96: {  	s17 =	sld [smem:$0x11];
	(tm) =	ssettm $0x1  }
0x97: {  	s18 =	sld [smem:$0x3FFB];
	_ =	sdelay $0x3  }
0x98: {  	_ =	strace s18  }
0x99: {  	s4 =	sld [smem:$0x3FFC];
	_ =	sdelay $0x3  }
0x9a: {  	_ =	strace s4  }
0x9b: {  	s4 =	sld [smem:$0x3FFD];
	_ =	sdelay $0x3  }
0x9c: {  	_ =	strace s4  }
0x9d: {  	_ =	strace $0x8FFFFFFF  }
0x9e: {  	s19 =	sld [smem:$0x3FDB];
	_ =	sdelay $0x1  }
0x9f: {  	s5 =	simm.s32 $_scs_section_size  }
0xa0: {  	s6 =	simm.s32 $_size__tile_overlayer_lowered;
	s7 =	simm.s32 $_tile_overlayer_lowered  }
0xa1: {  	s22 =	simm.s32 $0x1BFF;
	s21 =	sshll.u32 s7, $0x1;
	s4 =	sadd.s32 s5, s19  }
0xa2: {  	s8 =	simm.s32 $0x0;
	s20 =	sshll.u32 s6, $0x1;
	s6 =	sadd.s32 s21, s4  }
0xa3: {  	[timem:s8], [sflag:s22] =	dma.local [hbm:s6], s20  }
0xa4: {  	_ =	swait.ge [sflag:s22], s20  }
0xa5: {  	s5 =	ssub.s32 $0x0, s20;
	[sflag:s22] =	ssyncset.done $0x0  }
0xa6: {  	[sflag:s22] =	ssyncadd.s32 s5;
	_ =	sdelay $0x1  }
0xa7: {  	s23 =	simm.s32 $0x1B8B  }
0xa8: {  	_ =	swait.ge [sflag:s23], $0x1  }
0xa9: {  	[sflag:s23] =	ssyncset.done $0x0  }
0xaa: {  	s25 =	simm.s32 $0x1B8E;
	s24 =	sld [smem:$0x3FFE];
	[sflag:s23] =	ssyncadd.s32 $0xFFFFFFFF  }
0xab: {  	s26 =	simm.s32 $execute0_lowered;
	[smem:$0x3FD2] =	sst s25  }
0xac: {  	s6 =	sshll.u32 s26, $0x1;
	_ =	strace $0x80000049;
	[dreg:$0x1] =	wrdreg $0xFFFFFFFF  }
0xad: {  	s28 =	simm.s32 $_size_execute0_lowered;
	s4 =	sadd.s32 s4, s6;
	[dreg:$0x0] =	wrdreg $0x0  }
0xae: {  	s6 =	sshll.u32 s28, $0x1;
	[dreg:$0x2] =	wrdreg s4  }
0xaf: {  	[dreg:$0x3] =	wrdreg s6  }
0xb0: {  	[dreg:$0x4] =	wrdreg $0xC0  }
0xb1: {  	_ =	task [dreg:s8], $0x5FFFF  }
0xb2: {  	[dreg:$0x1] =	wrdreg $0xFFFFFFFF  }
0xb3: {  	[dreg:$0x0] =	wrdreg $0x60  }
0xb4: {  	[dreg:$0x2] =	wrdreg s16  }
0xb5: {  	[dreg:$0x3] =	wrdreg s17  }
0xb6: {  	[dreg:$0x4] =	wrdreg s24  }
0xb7: {  	[dreg:$0x5] =	wrdreg $0x9  }
0xb8: {  	_ =	task.clear_ibuf [dreg:s8], $0x6FFFF;
	_ =	strace $0x90000049  }
0xb9: {  	s29 =	simm.s32 $0x9;
	_ =	strace $0x8000004B  }
0xba: {  	_ =	swait.ge [sflag:s29], $0x1  }
0xbb: {  	[sflag:s29] =	ssyncadd.s32 $0xFFFFFFFF  }
0xbc: {  	_ =	strace $0x9000004B  }
0xbd: {  	_ =	sfence  }
0xbe: {  	s30 =	sld [smem:$0x0];
	_ =	sdelay $0x2  }
0xbf: {  	s31 =	sshll.u32 s1, $0xD;
	s1 =	sshrl.u32 s1, $0x2  }
0xc0: {  	s3 =	sand.u32 $0x4000, s31;
	s1 =	sadd.s32 s1, s30  }
0xc1: {  	s0 =	sor.u32 s3, s0;
	s1 =	sshll.u32 s1, $0x11  }
0xc2: {  	s0 =	sor.u32 s1, s0  }
0xc3: {  	s0 =	sadd.s32 $0x8F2B, s0  }
0xc4: {  	[sflag:s0] =	ssyncadd.remote.s32 $0x1  }
0xc5: {  	_ =	sfence.sel $0xFFFF  }
0xc6: {  	[dreg:$0x0] =	wrdreg $0xFFFFFFFF;
	(pc) =	sbr.abs _section_cstart, $3  }
0xc7: {  	[dreg:$0x1] =	wrdreg $0xFFFFFFFF  }
0xc8: {  	_ =	task.clear_ibuf [dreg:s8], $0x2FFFF;
	_ =	strace $0x9FFFFFFF  }
0xc9: {  	(tm) =	ssettm $0x7FFFFFFF  }
tec
execute0_lowered:
.L_overlay_start_1:
0x0: {  	(tag) =	ssettag $0x1  }
0x1: {  	s1 =	rddreg [dreg:$0x0];
	s2 =	srdreg.scid  }
0x2: {  	s4 =	rddreg [dreg:$0x1];
	s0 =	stileid.u32;
	s10 =	sand.u32 $0x1, s2  }
0x3: {  	s11 =	rddreg [dreg:$0x2];
	s5 =	sshll.u32 s0, $0x9;
	s6 =	sshll.u32 s10, $0x8  }
0x4: {  	s3 =	simm.s32 $0x0;
	s2 =	rddreg [dreg:$0x3];
	s12 =	sor.u32 s6, s5  }
0x5: {  	[smem:$0x7FF] =	sst s3;
	s5 =	sshrl.u32 s12, $0x3  }
0x6: {  	_ =	strace $0x8000004A;
	s5 =	sadd.s32 s4, s5;
	s4 =	simm.s32 $0x2  }
0x7: {  	[tilespmem:s3], [sflag:$0x2] =	stream.linear.gather [hbm4b:s5+s3], $0x80, $0x38;
	[tilespmem:$0x8100] =	vst v63  }
0x8: {  	_ =	swait.ge [sflag:s4], $0x80  }
0x9: {  	s7 =	simm.s32 $0x100;
	[sflag:s4] =	ssyncset.done $0x0  }
0xa: {  	s8 =	simm.s32 $0x1;
	s6 =	simm.s32 $0x80;
	[sflag:s4] =	ssyncadd.s32 $0xFFFFFF80  }
0xb: {  	[tilespmem:s7], [sflag:$0x1] =	stream.indirect.gather [hbm4b:s1+s6], $0x80, s3, s6, $0xb8;
	[tilespmem:$0x8100] =	vst v63  }
0xc: {  	_ =	swait.ge [sflag:s8], $0x4000  }
0xd: {  	[sflag:s8] =	ssyncset.done $0x0  }
0xe: {  	s13 =	ssub.s32 $0x2, s10;
	s9 =	sadd.s32 $0x10, s5;
	[sflag:s8] =	ssyncadd.s32 $0xFFFFC000  }
0xf: {  	[tilespmem:s6], [sflag:$0x2] =	stream.linear.gather [hbm4b:s9+s3], $0x80, $0x38;
	[tilespmem:$0x8100] =	vst v63  }
0x10: {  	s10 =	simm.s32 $0x4100;
	s14 =	sshrl.u32 s13, $0x1;
	_ =	swait.ge [sflag:s4], $0x80  }
0x11: {  	s12 =	sshll.u32 s12, $0x4;
	s31 =	ssub.s32 s13, s14;
	[sflag:s4] =	ssyncset.done $0x0  }
0x12: {  	s11 =	sadd.s32 s12, s11;
	s12 =	smax.u32 s31, $0x1;
	[sflag:s4] =	ssyncadd.s32 $0xFFFFFF80  }
0x13: {  	[tilespmem:s10], [sflag:$0x1] =	stream.indirect.gather [hbm4b:s1+s6], $0x80, s6, s6, $0xb8;
	[tilespmem:$0x8100] =	vst v63  }
0x14: {  	p0 =	sne.s32 s12, $0x1;
	_ =	swait.ge [sflag:s8], $0x4000  }
.Ltmp0:
0x15: {  	[sflag:s8] =	ssyncset.done $0x0;
	(pc) =	sbr.rel @!p0 .LBB2_2-.Ltmp0, $4  }
0x16: {  	s11 =	sadd.s32 $0x7400, s11;
	[sflag:s8] =	ssyncadd.s32 $0xFFFFC000  }
0x17: {  	[hbm4b:s11+s3] =	stream.linear.scatter [tilespmem:s7], [sflag:$0x2], $0x8000, $0x38;
	[tilespmem:$0x8100] =	vst v63  }
0x18: {  	_ =	swait.ge [sflag:s4], $0x8000  }
0x19: {  	s12 =	sadd.s32 $0xFFFFFFFF, s12;
	[sflag:s4] =	ssyncset.done $0x0  }
.LBB2_1:
0x1a: {  	p0 =	sne.s32 s12, $0x1;
	s12 =	sadd.s32 $0xFFFFFFFF, s12;
	[sflag:s4] =	ssyncadd.s32 $0xFFFF8000  }
0x1b: {  	[tilespmem:s3], [sflag:$0x2] =	stream.linear.gather [hbm4b:s5+s3], $0x80, $0x38;
	[tilespmem:$0x8100] =	vst v63  }
0x1c: {  	_ =	swait.ge [sflag:s4], $0x80  }
0x1d: {  	[sflag:s4] =	ssyncset.done $0x0  }
0x1e: {  	[sflag:s4] =	ssyncadd.s32 $0xFFFFFF80  }
0x1f: {  	[tilespmem:s7], [sflag:$0x1] =	stream.indirect.gather [hbm4b:s1+s6], $0x80, s3, s6, $0xb8;
	[tilespmem:$0x8100] =	vst v63  }
0x20: {  	_ =	swait.ge [sflag:s8], $0x4000  }
0x21: {  	[sflag:s8] =	ssyncset.done $0x0  }
0x22: {  	[sflag:s8] =	ssyncadd.s32 $0xFFFFC000  }
0x23: {  	[tilespmem:s6], [sflag:$0x2] =	stream.linear.gather [hbm4b:s9+s3], $0x80, $0x38;
	[tilespmem:$0x8100] =	vst v63  }
0x24: {  	_ =	swait.ge [sflag:s4], $0x80  }
0x25: {  	[sflag:s4] =	ssyncset.done $0x0  }
0x26: {  	[sflag:s4] =	ssyncadd.s32 $0xFFFFFF80  }
0x27: {  	[tilespmem:s10], [sflag:$0x1] =	stream.indirect.gather [hbm4b:s1+s6], $0x80, s6, s6, $0xb8;
	[tilespmem:$0x8100] =	vst v63  }
0x28: {  	_ =	swait.ge [sflag:s8], $0x4000  }
.Ltmp1:
0x29: {  	[sflag:s8] =	ssyncset.done $0x0;
	(pc) =	sbr.rel @p0 .LBB2_1-.Ltmp1, $4  }
0x2a: {  	[sflag:s8] =	ssyncadd.s32 $0xFFFFC000  }
0x2b: {  	[hbm4b:s11+s3] =	stream.linear.scatter [tilespmem:s7], [sflag:$0x2], $0x8000, $0x38;
	[tilespmem:$0x8100] =	vst v63  }
0x2c: {  	_ =	swait.ge [sflag:s4], $0x8000  }
0x2d: {  	[sflag:s4] =	ssyncset.done $0x0  }
.LBB2_2:
0x2e: {  	[sflag:s4] =	ssyncadd.s32 $0xFFFF8000  }
0x2f: {  	_ =	sfence.sel $0x180000  }
0x30: {  	[bflag:$0x0] =	sbarrier.arrive $0xFFFF  }
0x31: {  	p0 =	sne.s32 s0, $0x0;
	_ =	strace $0x9000004A  }
0x32: {  	s0 =	sadd.s32 @!p0 $0x100000, s2;
	[bflag:$0x2] =	sbarrier.arrive $0xFFFF  }
0x33: {  	[sflag:s0] =	ssyncadd.tile.s32 @!p0 $0x1;
	_ =	shalt  }
.Lfunc_end2:
_tile_overlayer_lowered:
.L_overlay_start_2:
0x34: {  	(tag) =	ssettag $0x2  }
0x35: {  	s0 =	rddreg [dreg:$0x0];
	s2 =	stileid.u32  }
0x36: {  	s1 =	rddreg [dreg:$0x1];
	p0 =	sne.s32 s2, $0x0  }
0x37: {  	s3 =	rddreg [dreg:$0x2];
	[bflag:$0x3] =	sbarrier.arrive $0xFFFF;
	s2 =	simm.s32 @!p0 $0x1C02  }
0x38: {  	[timem:s3], [sflag:s2] =	dma.local @!p0 [hbm:s0], s1  }
0x39: {  	s0 =	simm.s32 @!p0 $0x2  }
0x3a: {  	_ =	swait.ge @!p0 [sflag:s0], s1  }
0x3b: {  	s1 =	ssub.s32 @!p0 $0x0, s1;
	[sflag:s0] =	ssyncset.done @!p0 $0x0  }
0x3c: {  	[sflag:s0] =	ssyncadd.s32 @!p0 s1  }
0x3d: {  	[bflag:$0x3] =	sbarrier.arrive $0xFFFF  }
0x3e: {  	_ =	shalt  }

</sc_bundles>
